<compile_context>
chip_gen: v7x
topology: tpu7x:2x2x1
jax: 0.10.2.dev20260603
libtpu: 0.0.44.dev20260713+nightly
codegen_flags: <defaults>
</compile_context>

<pallas_src>
import functools

import jax
import jax.numpy as jnp
from jax import lax
from jax.experimental import pallas as pl
from jax.experimental.pallas import tpu as pltpu
from jax.experimental.pallas import tpu_sc as plsc

NUM_ACTIONS = 64
LANES = 16
SLAB = 512
NSLABS = 61
RANGE = NSLABS * SLAB
CAP = 48

_GATHER_DNUMS = lax.GatherDimensionNumbers(
    offset_dims=(), collapsed_slice_dims=(0,), start_index_map=(0,))


def _lane_bcast_last(x):
    idx = jnp.full((LANES, 1), LANES - 1, dtype=jnp.int32)
    return lax.gather(x, idx, _GATHER_DNUMS, (1,),
                      mode=lax.GatherScatterMode.PROMISE_IN_BOUNDS)


def _lane_extract(vec, lane_iota, j):
    return jnp.sum(jnp.where(lane_iota == j, vec, 0))


def kernel(logits, s_idx):
    num_states, num_actions = logits.shape
    batch = s_idx.shape[0]
    info = plsc.get_sparse_core_info()
    nc, ns = info.num_cores, info.num_subcores
    nw = nc * ns

    lt = logits.T
    mesh = plsc.VectorSubcoreMesh(core_axis_name="c", subcore_axis_name="s")

    @functools.partial(
        pl.kernel,
        mesh=mesh,
        out_type=jax.ShapeDtypeStruct((batch + nw, 2 * num_actions),
                                      jnp.float32),
        scratch_types=[
            pltpu.VMEM((1, batch), jnp.int32),
            pltpu.VMEM((batch + LANES,), jnp.int32),
            pltpu.VMEM((batch + LANES,), jnp.int32),
            pltpu.VMEM((NUM_ACTIONS,), jnp.int32),
            pltpu.VMEM((NUM_ACTIONS,), jnp.int32),
            pltpu.VMEM((NUM_ACTIONS,), jnp.int32),
            pltpu.VMEM((2, NUM_ACTIONS, SLAB), jnp.float32),
            pltpu.VMEM((2, CAP, 2 * num_actions), jnp.float32),
            pltpu.VMEM((CAP,), jnp.int32),
            pltpu.VMEM((CAP,), jnp.int32),
            pltpu.SemaphoreType.DMA,
            pltpu.SemaphoreType.DMA,
            pltpu.SemaphoreType.DMA,
        ],
        compiler_params=pltpu.CompilerParams(
            needs_layout_passes=False, disable_bounds_checks=True),
    )
    def sc_gather_softmax(lt_hbm, idx_hbm, out_hbm, idx_v, ss_v, sb_v,
                          hist_v, off_v, run_v, sbuf_v, rows_v, bidxA_v,
                          bidxB_v, semA0, semA1, semF):
        wid = lax.axis_index("s") * nc + lax.axis_index("c")
        lo = wid * RANGE
        hi = jnp.where(wid == nw - 1, jnp.int32(2**30), lo + RANGE)
        n_slabs = jnp.where(wid == nw - 1, NSLABS + 2, NSLABS)
        lane = lax.iota(jnp.int32, LANES)
        zero16 = jnp.zeros((LANES,), dtype=jnp.int32)
        one16 = jnp.ones((LANES,), dtype=jnp.int32)

        pltpu.sync_copy(idx_hbm.at[0], idx_v)

        for c in range(NUM_ACTIONS // LANES):
            hist_v[pl.ds(c * LANES, LANES)] = zero16

        def p1(i, carry):
            sv = idx_v[0, pl.ds(i * LANES, LANES)]
            msk = (sv >= lo) & (sv < hi)
            slabv = jnp.where(msk, (sv - lo) >> 9, NUM_ACTIONS - 1)
            plsc.addupdate_scatter(hist_v, [slabv], one16, mask=msk)
            return carry

        lax.fori_loop(0, batch // LANES, p1, 0)

        carry = jnp.zeros((LANES,), dtype=jnp.int32)
        for c in range(NUM_ACTIONS // LANES):
            h = hist_v[pl.ds(c * LANES, LANES)]
            cs = plsc.cumsum(h)
            off_v[pl.ds(c * LANES, LANES)] = cs - h + carry
            run_v[pl.ds(c * LANES, LANES)] = cs - h + carry
            carry = carry + _lane_bcast_last(cs)

        def p3(i, carry):
            sv = idx_v[0, pl.ds(i * LANES, LANES)]
            msk = (sv >= lo) & (sv < hi)
            slabv = jnp.where(msk, (sv - lo) >> 9, NUM_ACTIONS - 1)
            base = plsc.load_gather(run_v, [slabv])
            rank, _ = plsc.scan_count(slabv, msk)
            dst = base + rank - 1
            plsc.store_scatter(ss_v, [dst], sv, mask=msk)
            plsc.store_scatter(sb_v, [dst], i * LANES + lane, mask=msk)
            plsc.addupdate_scatter(run_v, [slabv], one16, mask=msk)
            return carry

        lax.fori_loop(0, batch // LANES, p3, 0)

        def issue(k, slot, sem):
            off = pl.multiple_of(lo + k * SLAB, 128)
            is_tail = k == NSLABS + 1

            @pl.when(jnp.logical_not(is_tail))
            def _():
                pltpu.async_copy(lt_hbm.at[:, pl.ds(off, SLAB)],
                                 sbuf_v.at[slot], sem)

            @pl.when(is_tail)
            def _():
                pltpu.async_copy(lt_hbm.at[:, pl.ds(off, 128)],
                                 sbuf_v.at[slot, :, pl.ds(0, 128)], sem)

        def drain(k, slot, sem):
            is_tail = k == NSLABS + 1

            @pl.when(jnp.logical_not(is_tail))
            def _():
                pltpu.make_async_copy(
                    lt_hbm.at[:, pl.ds(0, SLAB)], sbuf_v.at[slot], sem).wait()

            @pl.when(is_tail)
            def _():
                pltpu.make_async_copy(
                    lt_hbm.at[:, pl.ds(0, 128)],
                    sbuf_v.at[slot, :, pl.ds(0, 128)], sem).wait()

        trash16 = jnp.full((LANES,), batch, dtype=jnp.int32) + wid

        def pad_and_fire(bidx_ref, slot_rows, cnt):
            for c in range(CAP // LANES):
                pos = lane + c * LANES
                keep = bidx_ref[pl.ds(c * LANES, LANES)]
                bidx_ref[pl.ds(c * LANES, LANES)] = jnp.where(
                    pos < cnt, keep, trash16)
            pltpu.async_copy(rows_v.at[slot_rows], out_hbm.at[bidx_ref],
                             semF)

        def flush(fc, cnt):
            @pl.when((fc & 1) == 0)
            def _():
                pad_and_fire(bidxA_v, 0, cnt)

            @pl.when((fc & 1) == 1)
            def _():
                pad_and_fire(bidxB_v, 1, cnt)

            @pl.when(fc > 0)
            def _():
                pltpu.make_async_copy(
                    lt_hbm.at[pl.ds(0, CAP), pl.ds(0, 128)],
                    rows_v.at[0], semF).wait()

            return fc + 1

        def process(k, slot, cnt0):
            kv = jnp.full((LANES,), k, dtype=jnp.int32)
            st = _lane_extract(plsc.load_gather(off_v, [kv]), lane, 0)
            en = _lane_extract(plsc.load_gather(run_v, [kv]), lane, 0)
            sbase = lo + k * SLAB

            def match(j, carry):
                cnt, fc = carry
                jv = (j & ~(LANES - 1))
                lj = j & (LANES - 1)
                s = _lane_extract(ss_v[pl.ds(jv, LANES)], lane, lj)
                b = _lane_extract(sb_v[pl.ds(jv, LANES)], lane, lj)
                r = jnp.full((LANES,), s - sbase, dtype=jnp.int32)
                sl = jnp.full((LANES,), slot, dtype=jnp.int32)
                xs = [plsc.load_gather(sbuf_v, [sl, lane + c * LANES, r])
                      for c in range(NUM_ACTIONS // LANES)]
                es = [jnp.exp(x) for x in xs]
                s16 = (es[0] + es[1]) + (es[2] + es[3])
                inv = 1.0 / _lane_bcast_last(plsc.cumsum(s16))
                rslot = fc & 1
                for c in range(NUM_ACTIONS // LANES):
                    rows_v[rslot, cnt, pl.ds(c * LANES, LANES)] = es[c] * inv
                bv = jnp.full((LANES,), b, dtype=jnp.int32)
                cv = jnp.full((LANES,), cnt, dtype=jnp.int32)

                @pl.when(rslot == 0)
                def _():
                    plsc.store_scatter(bidxA_v, [cv], bv, mask=lane == 0)

                @pl.when(rslot == 1)
                def _():
                    plsc.store_scatter(bidxB_v, [cv], bv, mask=lane == 0)

                full_now = cnt == CAP - 1
                fc2 = lax.cond(full_now, lambda f: flush(f, CAP),
                               lambda f: f, fc)
                return (jnp.where(full_now, 0, cnt + 1), fc2)

            return lax.fori_loop(st, en, match, cnt0)

        issue(0, 0, semA0)
        sems = (semA0, semA1)
        n_super = (NSLABS + 2 + 1) // 2

        def outer(k2, carry2):
            for sl in range(2):
                k = 2 * k2 + sl

                def step(c_in):
                    @pl.when(k + 1 < n_slabs)
                    def _():
                        issue(k + 1, 1 - sl, sems[1 - sl])

                    drain(k, sl, sems[sl])
                    return process(k, sl, c_in)

                carry2 = lax.cond(k < n_slabs, step, lambda c: c, carry2)
            return carry2

        cnt, fc = lax.fori_loop(0, n_super, outer,
                                (jnp.int32(0), jnp.int32(0)))

        fc = flush(fc, cnt)
        pltpu.make_async_copy(
            lt_hbm.at[pl.ds(0, CAP), pl.ds(0, 128)], rows_v.at[0],
            semF).wait()

    out2 = sc_gather_softmax(lt, s_idx.reshape(1, 1, batch))
    return out2[:batch, :num_actions]

# --- scband reference (transcript-rebuilt; emitter-appended) ---
"""Pipeline reference for scband-state-tabular-policy-15315853378126 (READ-ONLY COPY).

The authoritative reference and input builder live on the scoring server;
editing this copy changes nothing except your own understanding.
"""

import jax, jax.numpy as jnp
import numpy as np

NUM_STATES = 1000000
NUM_ACTIONS = 64
BATCH = 16384


def setup_inputs(seed: int = 0) -> dict:
    key = jax.random.key(seed)
    k1, k2 = jax.random.split(key)
    # learned parameter: logits table [num_states, num_actions], init 0.1*randn (init_uniform=False)
    logits = 0.1 * jax.random.normal(k1, (NUM_STATES, NUM_ACTIONS), dtype=jnp.float32)
    s_idx = jax.random.randint(k2, (BATCH,), 0, NUM_STATES, dtype=jnp.int32)
    return {"logits": logits, "s_idx": s_idx}


def reference(logits, s_idx):
    # get_probs(s_idx): softmax over gathered rows of the logits table
    gathered = jnp.take(logits, s_idx, axis=0)  # [B, num_actions]
    probs = jax.nn.softmax(gathered, axis=-1)
    return probs

if __name__ == "__main__":
    import jax
    _d = setup_inputs()
    print(jax.jit(kernel)(*tuple(_d.values())))

</pallas_src>

<mosaic_0001>
#map = affine_map<(d0, d1) -> (0, 0)>
#map1 = affine_map<(d0, d1) -> (0, 0, 0)>
module attributes {stable_mosaic.version = 14 : i64} {
  func.func @sc_gather_softmax(%arg0: i32, %arg1: i32, %arg2: memref<64x1000000xf32, #tpu.memory_space<hbm>>, %arg3: memref<1x1x16384xi32, #tpu.memory_space<hbm>>, %arg4: memref<16416x128xf32, #tpu.memory_space<hbm>>, %arg5: memref<1x16384xi32, #tpu.memory_space<vmem>>, %arg6: memref<16400xi32, #tpu.memory_space<vmem>>, %arg7: memref<16400xi32, #tpu.memory_space<vmem>>, %arg8: memref<64xi32, #tpu.memory_space<vmem>>, %arg9: memref<64xi32, #tpu.memory_space<vmem>>, %arg10: memref<64xi32, #tpu.memory_space<vmem>>, %arg11: memref<2x64x512xf32, #tpu.memory_space<vmem>>, %arg12: memref<2x48x128xf32, #tpu.memory_space<vmem>>, %arg13: memref<48xi32, #tpu.memory_space<vmem>>, %arg14: memref<48xi32, #tpu.memory_space<vmem>>, %arg15: memref<!tpu.dma_semaphore, #tpu.memory_space<semaphore_mem>>, %arg16: memref<!tpu.dma_semaphore, #tpu.memory_space<semaphore_mem>>, %arg17: memref<!tpu.dma_semaphore, #tpu.memory_space<semaphore_mem>>) attributes {dimension_semantics = [#tpu.dimension_semantics<core_parallel>, #tpu.dimension_semantics<subcore_parallel>], iteration_bounds = array<i64: 2, 16>, scalar_prefetch = 0 : i64, scratch_operands = 13 : i64, tpu.core_type = #tpu.core_type<sc_vector_subcore>, window_params = [{transform_indices = #map}, {transform_indices = #map1}, {transform_indices = #map}]} {
    %mul3A = arith.constant 2 : i32
    %mul3A_0 = arith.muli %arg1, %mul3A : i32
    %add3A = arith.addi %mul3A_0, %arg0 : i32
    %mul3A_1 = arith.constant 31232 : i32
    %mul3A_2 = arith.muli %add3A, %mul3A_1 : i32
    %eq3A = arith.constant 31 : i32
    %eq3A_3 = arith.cmpi eq, %add3A, %eq3A : i32
    %add3A_4 = arith.constant 31232 : i32
    %add3A_5 = arith.addi %mul3A_2, %add3A_4 : i32
    %jit3A = arith.constant 1073741824 : i32
    %select_n3A = arith.select %eq3A_3, %jit3A, %add3A_5 : i32
    %eq3A_6 = arith.constant 31 : i32
    %eq3A_7 = arith.cmpi eq, %add3A, %eq3A_6 : i32
    %jit3A_8 = arith.constant 63 : i32
    %jit3A_9 = arith.constant 61 : i32
    %select_n3A_10 = arith.select %eq3A_7, %jit3A_8, %jit3A_9 : i32
    %iota3A = tpu.iota {dimensions = array<i32: 0>} : vector<16xi32>
    %broadcast_in_dim3A = arith.constant 0 : i32
    %broadcast_in_dim3A_11 = vector.broadcast %broadcast_in_dim3A : i32 to vector<16xi32>
    %broadcast_in_dim3A_12 = arith.constant 1 : i32
    %broadcast_in_dim3A_13 = vector.broadcast %broadcast_in_dim3A_12 : i32 to vector<16xi32>
    %run_scoped3A = arith.constant 0 : i32
    "tpu.region"() ({
      %run_scoped3A_152 = tpu.sem_alloc : memref<!tpu.dma_semaphore, #tpu.memory_space<semaphore_mem>>
      %dma_start3A = arith.constant 0 : i32
      %dma_start3A_153 = arith.constant 0 : i32
      %dma_start3A_154 = tpu.memref_slice %arg3[%run_scoped3A, %dma_start3A, %dma_start3A_153] : memref<1x1x16384xi32, #tpu.memory_space<hbm>> -> memref<1x1x16384xi32, #tpu.memory_space<hbm>>
      %dma_start3A_155 = tpu.memref_squeeze %dma_start3A_154 : memref<1x1x16384xi32, #tpu.memory_space<hbm>> -> memref<1x16384xi32, #tpu.memory_space<hbm>>
      %dma_start3A_156 = arith.constant 0 : i32
      %dma_start3A_157 = arith.constant 0 : i32
      %dma_start3A_158 = tpu.memref_slice %arg3[%run_scoped3A, %dma_start3A_156, %dma_start3A_157] : memref<1x1x16384xi32, #tpu.memory_space<hbm>> -> memref<1x1x16384xi32, #tpu.memory_space<hbm>>
      %dma_start3A_159 = tpu.memref_squeeze %dma_start3A_158 : memref<1x1x16384xi32, #tpu.memory_space<hbm>> -> memref<1x16384xi32, #tpu.memory_space<hbm>>
      tpu.enqueue_dma source(%dma_start3A_159 : memref<1x16384xi32, #tpu.memory_space<hbm>>) target(%arg5 : memref<1x16384xi32, #tpu.memory_space<vmem>>) target_semaphore(%run_scoped3A_152 : memref<!tpu.dma_semaphore, #tpu.memory_space<semaphore_mem>>)
      %dma_wait3A_160 = arith.constant 0 : i32
      %dma_wait3A_161 = arith.constant 0 : i32
      %dma_wait3A_162 = tpu.memref_slice %arg3[%run_scoped3A, %dma_wait3A_160, %dma_wait3A_161] : memref<1x1x16384xi32, #tpu.memory_space<hbm>> -> memref<1x1x16384xi32, #tpu.memory_space<hbm>>
      %dma_wait3A_163 = tpu.memref_squeeze %dma_wait3A_162 : memref<1x1x16384xi32, #tpu.memory_space<hbm>> -> memref<1x16384xi32, #tpu.memory_space<hbm>>
      %dma_wait3A_164 = arith.constant 0 : i32
      %dma_wait3A_165 = arith.constant 0 : i32
      %dma_wait3A_166 = tpu.memref_slice %arg3[%run_scoped3A, %dma_wait3A_164, %dma_wait3A_165] : memref<1x1x16384xi32, #tpu.memory_space<hbm>> -> memref<1x1x16384xi32, #tpu.memory_space<hbm>>
      %dma_wait3A_167 = tpu.memref_squeeze %dma_wait3A_166 : memref<1x1x16384xi32, #tpu.memory_space<hbm>> -> memref<1x16384xi32, #tpu.memory_space<hbm>>
      tpu.wait_dma2 semaphore(%run_scoped3A_152 : memref<!tpu.dma_semaphore, #tpu.memory_space<semaphore_mem>>) src(%dma_wait3A_167 : memref<1x16384xi32, #tpu.memory_space<hbm>>) dst(%arg5 : memref<1x16384xi32, #tpu.memory_space<vmem>>)
      tpu.yield
    }) : () -> ()
    %swap3A = arith.constant 0 : index
    %swap3A_14 = tpu.vector_load %arg8[%swap3A] {strides = array<i32>} : memref<64xi32, #tpu.memory_space<vmem>>, vector<16xi32>,
    tpu.vector_store %arg8[%swap3A], %broadcast_in_dim3A_11 {strides = array<i32>} : memref<64xi32, #tpu.memory_space<vmem>>, vector<16xi32>,
    %swap3A_15 = arith.constant 16 : index
    %swap3A_16 = tpu.vector_load %arg8[%swap3A_15] {strides = array<i32>} : memref<64xi32, #tpu.memory_space<vmem>>, vector<16xi32>,
    tpu.vector_store %arg8[%swap3A_15], %broadcast_in_dim3A_11 {strides = array<i32>} : memref<64xi32, #tpu.memory_space<vmem>>, vector<16xi32>,
    %swap3A_17 = arith.constant 32 : index
    %swap3A_18 = tpu.vector_load %arg8[%swap3A_17] {strides = array<i32>} : memref<64xi32, #tpu.memory_space<vmem>>, vector<16xi32>,
    tpu.vector_store %arg8[%swap3A_17], %broadcast_in_dim3A_11 {strides = array<i32>} : memref<64xi32, #tpu.memory_space<vmem>>, vector<16xi32>,
    %swap3A_19 = arith.constant 48 : index
    %swap3A_20 = tpu.vector_load %arg8[%swap3A_19] {strides = array<i32>} : memref<64xi32, #tpu.memory_space<vmem>>, vector<16xi32>,
    tpu.vector_store %arg8[%swap3A_19], %broadcast_in_dim3A_11 {strides = array<i32>} : memref<64xi32, #tpu.memory_space<vmem>>, vector<16xi32>,
    %scan3A = arith.constant 0 : i32
    %scan3A_21 = arith.constant 0 : i32
    %scan3A_22 = arith.constant 1024 : i32
    %scan3A_23 = arith.addi %scan3A_21, %scan3A_22 : i32
    %scan3A_24 = arith.constant 1 : i32
    scf.for %scan3A_152 = %scan3A_21 to %scan3A_23 step %scan3A_24  : i32 {
      %mul3A_153 = arith.constant 16 : i32
      %mul3A_154 = arith.muli %scan3A_152, %mul3A_153 : i32
      %get3A_155 = arith.constant 0 : i32
      %get3A_156 = arith.index_cast %get3A_155 : i32 to index
      %get3A_157 = arith.index_cast %mul3A_154 : i32 to index
      %get3A_158 = tpu.vector_load %arg5[%get3A_156, %get3A_157] {strides = array<i32>} : memref<1x16384xi32, #tpu.memory_space<vmem>>, vector<16xi32>,
      %ge3A = vector.broadcast %mul3A_2 : i32 to vector<16xi32>
      %ge3A_159 = arith.cmpi sge, %get3A_158, %ge3A : vector<16xi32>
      %lt3A = vector.broadcast %select_n3A : i32 to vector<16xi32>
      %lt3A_160 = arith.cmpi slt, %get3A_158, %lt3A : vector<16xi32>
      %and3A_161 = arith.andi %ge3A_159, %lt3A_160 : vector<16xi1>
      %sub3A_162 = vector.broadcast %mul3A_2 : i32 to vector<16xi32>
      %sub3A_163 = arith.subi %get3A_158, %sub3A_162 : vector<16xi32>
      %shift_right_arithmetic3A = arith.constant 9 : i32
      %shift_right_arithmetic3A_164 = vector.broadcast %shift_right_arithmetic3A : i32 to vector<16xi32>
      %shift_right_arithmetic3A_165 = arith.shrsi %sub3A_163, %shift_right_arithmetic3A_164 : vector<16xi32>
      %jit3A_166 = arith.constant 63 : i32
      %broadcast_in_dim3A_167 = vector.broadcast %jit3A_166 : i32 to vector<16xi32>
      %select_n3A_168 = arith.select %and3A_161, %shift_right_arithmetic3A_165, %broadcast_in_dim3A_167 : vector<16xi1>, vector<16xi32>
      tpu.vector_store_idx %arg8[%select_n3A_168], %broadcast_in_dim3A_13 masked %and3A_161 {add = true} : memref<64xi32, #tpu.memory_space<vmem>>[vector<16xi32>], vector<16xi32>, vector<16xi1>
    }
    %scan3A_25 = arith.constant 1024 : i32
    %broadcast_in_dim3A_26 = arith.constant 0 : i32
    %broadcast_in_dim3A_27 = vector.broadcast %broadcast_in_dim3A_26 : i32 to vector<16xi32>
    %get3A = arith.constant 0 : index
    %get3A_28 = tpu.vector_load %arg8[%get3A] {strides = array<i32>} : memref<64xi32, #tpu.memory_space<vmem>>, vector<16xi32>,
    %broadcast_in_dim3A_29 = arith.constant true
    %broadcast_in_dim3A_30 = vector.broadcast %broadcast_in_dim3A_29 : i1 to vector<16xi1>
    %masked_cumsum3A = tpu.scan <sum>, %get3A_28 masked %broadcast_in_dim3A_30 : vector<16xi32>, vector<16xi1> -> vector<16xi32>
    %sub3A = arith.subi %masked_cumsum3A, %get3A_28 : vector<16xi32>
    %add3A_31 = arith.addi %sub3A, %broadcast_in_dim3A_27 : vector<16xi32>
    %swap3A_32 = arith.constant 0 : index
    %swap3A_33 = tpu.vector_load %arg9[%swap3A_32] {strides = array<i32>} : memref<64xi32, #tpu.memory_space<vmem>>, vector<16xi32>,
    tpu.vector_store %arg9[%swap3A_32], %add3A_31 {strides = array<i32>} : memref<64xi32, #tpu.memory_space<vmem>>, vector<16xi32>,
    %sub3A_34 = arith.subi %masked_cumsum3A, %get3A_28 : vector<16xi32>
    %add3A_35 = arith.addi %sub3A_34, %broadcast_in_dim3A_27 : vector<16xi32>
    %swap3A_36 = arith.constant 0 : index
    %swap3A_37 = tpu.vector_load %arg10[%swap3A_36] {strides = array<i32>} : memref<64xi32, #tpu.memory_space<vmem>>, vector<16xi32>,
    tpu.vector_store %arg10[%swap3A_36], %add3A_35 {strides = array<i32>} : memref<64xi32, #tpu.memory_space<vmem>>, vector<16xi32>,
    %broadcast_in_dim3A_38 = arith.constant 15 : i32
    %broadcast_in_dim3A_39 = vector.broadcast %broadcast_in_dim3A_38 : i32 to vector<16x1xi32>
    %gather3A = vector.shape_cast %broadcast_in_dim3A_39 : vector<16x1xi32> to vector<16xi32>
    %gather3A_40 = tpu.dynamic_gather %masked_cumsum3A[%gather3A] in [0] : vector<16xi32>, vector<16xi32> -> vector<16xi32>
    %add3A_41 = arith.addi %broadcast_in_dim3A_27, %gather3A_40 : vector<16xi32>
    %get3A_42 = arith.constant 16 : index
    %get3A_43 = tpu.vector_load %arg8[%get3A_42] {strides = array<i32>} : memref<64xi32, #tpu.memory_space<vmem>>, vector<16xi32>,
    %broadcast_in_dim3A_44 = arith.constant true
    %broadcast_in_dim3A_45 = vector.broadcast %broadcast_in_dim3A_44 : i1 to vector<16xi1>
    %masked_cumsum3A_46 = tpu.scan <sum>, %get3A_43 masked %broadcast_in_dim3A_45 : vector<16xi32>, vector<16xi1> -> vector<16xi32>
    %sub3A_47 = arith.subi %masked_cumsum3A_46, %get3A_43 : vector<16xi32>
    %add3A_48 = arith.addi %sub3A_47, %add3A_41 : vector<16xi32>
    %swap3A_49 = arith.constant 16 : index
    %swap3A_50 = tpu.vector_load %arg9[%swap3A_49] {strides = array<i32>} : memref<64xi32, #tpu.memory_space<vmem>>, vector<16xi32>,
    tpu.vector_store %arg9[%swap3A_49], %add3A_48 {strides = array<i32>} : memref<64xi32, #tpu.memory_space<vmem>>, vector<16xi32>,
    %sub3A_51 = arith.subi %masked_cumsum3A_46, %get3A_43 : vector<16xi32>
    %add3A_52 = arith.addi %sub3A_51, %add3A_41 : vector<16xi32>
    %swap3A_53 = arith.constant 16 : index
    %swap3A_54 = tpu.vector_load %arg10[%swap3A_53] {strides = array<i32>} : memref<64xi32, #tpu.memory_space<vmem>>, vector<16xi32>,
    tpu.vector_store %arg10[%swap3A_53], %add3A_52 {strides = array<i32>} : memref<64xi32, #tpu.memory_space<vmem>>, vector<16xi32>,
    %broadcast_in_dim3A_55 = arith.constant 15 : i32
    %broadcast_in_dim3A_56 = vector.broadcast %broadcast_in_dim3A_55 : i32 to vector<16x1xi32>
    %gather3A_57 = vector.shape_cast %broadcast_in_dim3A_56 : vector<16x1xi32> to vector<16xi32>
    %gather3A_58 = tpu.dynamic_gather %masked_cumsum3A_46[%gather3A_57] in [0] : vector<16xi32>, vector<16xi32> -> vector<16xi32>
    %add3A_59 = arith.addi %add3A_41, %gather3A_58 : vector<16xi32>
    %get3A_60 = arith.constant 32 : index
    %get3A_61 = tpu.vector_load %arg8[%get3A_60] {strides = array<i32>} : memref<64xi32, #tpu.memory_space<vmem>>, vector<16xi32>,
    %broadcast_in_dim3A_62 = arith.constant true
    %broadcast_in_dim3A_63 = vector.broadcast %broadcast_in_dim3A_62 : i1 to vector<16xi1>
    %masked_cumsum3A_64 = tpu.scan <sum>, %get3A_61 masked %broadcast_in_dim3A_63 : vector<16xi32>, vector<16xi1> -> vector<16xi32>
    %sub3A_65 = arith.subi %masked_cumsum3A_64, %get3A_61 : vector<16xi32>
    %add3A_66 = arith.addi %sub3A_65, %add3A_59 : vector<16xi32>
    %swap3A_67 = arith.constant 32 : index
    %swap3A_68 = tpu.vector_load %arg9[%swap3A_67] {strides = array<i32>} : memref<64xi32, #tpu.memory_space<vmem>>, vector<16xi32>,
    tpu.vector_store %arg9[%swap3A_67], %add3A_66 {strides = array<i32>} : memref<64xi32, #tpu.memory_space<vmem>>, vector<16xi32>,
    %sub3A_69 = arith.subi %masked_cumsum3A_64, %get3A_61 : vector<16xi32>
    %add3A_70 = arith.addi %sub3A_69, %add3A_59 : vector<16xi32>
    %swap3A_71 = arith.constant 32 : index
    %swap3A_72 = tpu.vector_load %arg10[%swap3A_71] {strides = array<i32>} : memref<64xi32, #tpu.memory_space<vmem>>, vector<16xi32>,
    tpu.vector_store %arg10[%swap3A_71], %add3A_70 {strides = array<i32>} : memref<64xi32, #tpu.memory_space<vmem>>, vector<16xi32>,
    %broadcast_in_dim3A_73 = arith.constant 15 : i32
    %broadcast_in_dim3A_74 = vector.broadcast %broadcast_in_dim3A_73 : i32 to vector<16x1xi32>
    %gather3A_75 = vector.shape_cast %broadcast_in_dim3A_74 : vector<16x1xi32> to vector<16xi32>
    %gather3A_76 = tpu.dynamic_gather %masked_cumsum3A_64[%gather3A_75] in [0] : vector<16xi32>, vector<16xi32> -> vector<16xi32>
    %add3A_77 = arith.addi %add3A_59, %gather3A_76 : vector<16xi32>
    %get3A_78 = arith.constant 48 : index
    %get3A_79 = tpu.vector_load %arg8[%get3A_78] {strides = array<i32>} : memref<64xi32, #tpu.memory_space<vmem>>, vector<16xi32>,
    %broadcast_in_dim3A_80 = arith.constant true
    %broadcast_in_dim3A_81 = vector.broadcast %broadcast_in_dim3A_80 : i1 to vector<16xi1>
    %masked_cumsum3A_82 = tpu.scan <sum>, %get3A_79 masked %broadcast_in_dim3A_81 : vector<16xi32>, vector<16xi1> -> vector<16xi32>
    %sub3A_83 = arith.subi %masked_cumsum3A_82, %get3A_79 : vector<16xi32>
    %add3A_84 = arith.addi %sub3A_83, %add3A_77 : vector<16xi32>
    %swap3A_85 = arith.constant 48 : index
    %swap3A_86 = tpu.vector_load %arg9[%swap3A_85] {strides = array<i32>} : memref<64xi32, #tpu.memory_space<vmem>>, vector<16xi32>,
    tpu.vector_store %arg9[%swap3A_85], %add3A_84 {strides = array<i32>} : memref<64xi32, #tpu.memory_space<vmem>>, vector<16xi32>,
    %sub3A_87 = arith.subi %masked_cumsum3A_82, %get3A_79 : vector<16xi32>
    %add3A_88 = arith.addi %sub3A_87, %add3A_77 : vector<16xi32>
    %swap3A_89 = arith.constant 48 : index
    %swap3A_90 = tpu.vector_load %arg10[%swap3A_89] {strides = array<i32>} : memref<64xi32, #tpu.memory_space<vmem>>, vector<16xi32>,
    tpu.vector_store %arg10[%swap3A_89], %add3A_88 {strides = array<i32>} : memref<64xi32, #tpu.memory_space<vmem>>, vector<16xi32>,
    %broadcast_in_dim3A_91 = arith.constant 15 : i32
    %broadcast_in_dim3A_92 = vector.broadcast %broadcast_in_dim3A_91 : i32 to vector<16x1xi32>
    %gather3A_93 = vector.shape_cast %broadcast_in_dim3A_92 : vector<16x1xi32> to vector<16xi32>
    %gather3A_94 = tpu.dynamic_gather %masked_cumsum3A_82[%gather3A_93] in [0] : vector<16xi32>, vector<16xi32> -> vector<16xi32>
    %add3A_95 = arith.addi %add3A_77, %gather3A_94 : vector<16xi32>
    %scan3A_96 = arith.constant 0 : i32
    %scan3A_97 = arith.constant 0 : i32
    %scan3A_98 = arith.constant 1024 : i32
    %scan3A_99 = arith.addi %scan3A_97, %scan3A_98 : i32
    %scan3A_100 = arith.constant 1 : i32
    scf.for %scan3A_152 = %scan3A_97 to %scan3A_99 step %scan3A_100  : i32 {
      %mul3A_153 = arith.constant 16 : i32
      %mul3A_154 = arith.muli %scan3A_152, %mul3A_153 : i32
      %get3A_155 = arith.constant 0 : i32
      %get3A_156 = arith.index_cast %get3A_155 : i32 to index
      %get3A_157 = arith.index_cast %mul3A_154 : i32 to index
      %get3A_158 = tpu.vector_load %arg5[%get3A_156, %get3A_157] {strides = array<i32>} : memref<1x16384xi32, #tpu.memory_space<vmem>>, vector<16xi32>,
      %ge3A = vector.broadcast %mul3A_2 : i32 to vector<16xi32>
      %ge3A_159 = arith.cmpi sge, %get3A_158, %ge3A : vector<16xi32>
      %lt3A = vector.broadcast %select_n3A : i32 to vector<16xi32>
      %lt3A_160 = arith.cmpi slt, %get3A_158, %lt3A : vector<16xi32>
      %and3A_161 = arith.andi %ge3A_159, %lt3A_160 : vector<16xi1>
      %sub3A_162 = vector.broadcast %mul3A_2 : i32 to vector<16xi32>
      %sub3A_163 = arith.subi %get3A_158, %sub3A_162 : vector<16xi32>
      %shift_right_arithmetic3A = arith.constant 9 : i32
      %shift_right_arithmetic3A_164 = vector.broadcast %shift_right_arithmetic3A : i32 to vector<16xi32>
      %shift_right_arithmetic3A_165 = arith.shrsi %sub3A_163, %shift_right_arithmetic3A_164 : vector<16xi32>
      %jit3A_166 = arith.constant 63 : i32
      %broadcast_in_dim3A_167 = vector.broadcast %jit3A_166 : i32 to vector<16xi32>
      %select_n3A_168 = arith.select %and3A_161, %shift_right_arithmetic3A_165, %broadcast_in_dim3A_167 : vector<16xi1>, vector<16xi32>
      %gather3A_169 = tpu.vector_load_idx %arg10[%select_n3A_168] : memref<64xi32, #tpu.memory_space<vmem>>[vector<16xi32>], vector<16xi32>,
      %unique3A, %unique3A_170 = tpu.scan_count mask(%and3A_161 : vector<16xi1>) value(%select_n3A_168 : vector<16xi32>) : vector<16xi1>, vector<16xi32>
      %add3A_171 = arith.addi %gather3A_169, %unique3A_170 : vector<16xi32>
      %sub3A_172 = arith.constant 1 : i32
      %sub3A_173 = vector.broadcast %sub3A_172 : i32 to vector<16xi32>
      %sub3A_174 = arith.subi %add3A_171, %sub3A_173 : vector<16xi32>
      tpu.vector_store_idx %arg6[%sub3A_174], %get3A_158 masked %and3A_161 : memref<16400xi32, #tpu.memory_space<vmem>>[vector<16xi32>], vector<16xi32>, vector<16xi1>
      %mul3A_175 = arith.constant 16 : i32
      %mul3A_176 = arith.muli %scan3A_152, %mul3A_175 : i32
      %add3A_177 = vector.broadcast %mul3A_176 : i32 to vector<16xi32>
      %add3A_178 = arith.addi %add3A_177, %iota3A : vector<16xi32>
      tpu.vector_store_idx %arg7[%sub3A_174], %add3A_178 masked %and3A_161 : memref<16400xi32, #tpu.memory_space<vmem>>[vector<16xi32>], vector<16xi32>, vector<16xi1>
      tpu.vector_store_idx %arg10[%select_n3A_168], %broadcast_in_dim3A_13 masked %and3A_161 {add = true} : memref<64xi32, #tpu.memory_space<vmem>>[vector<16xi32>], vector<16xi32>, vector<16xi1>
    }
    %scan3A_101 = arith.constant 1024 : i32
    %broadcast_in_dim3A_102 = arith.constant 16384 : i32
    %broadcast_in_dim3A_103 = vector.broadcast %broadcast_in_dim3A_102 : i32 to vector<16xi32>
    %add3A_104 = vector.broadcast %add3A : i32 to vector<16xi32>
    %add3A_105 = arith.addi %broadcast_in_dim3A_103, %add3A_104 : vector<16xi32>
    %add3A_106 = arith.constant 0 : i32
    %add3A_107 = arith.addi %mul3A_2, %add3A_106 : i32
    %multiple_of3A = tpu.assume_multiple %add3A_107, 128 : i32
    %not3A = arith.constant false
    %not3A_108 = arith.constant true
    %not3A_109 = arith.xori %not3A, %not3A_108 : i1
    %convert_element_type3A = arith.extui %not3A_109 : i1 to i32
    %cond3A = arith.constant 0 : i32
    %cond3A_110 = arith.cmpi ne, %convert_element_type3A, %cond3A : i32
    scf.if %cond3A_110 {
      %dma_start3A = arith.constant 0 : i32
      %dma_start3A_152 = arith.constant 0 : i32
      %dma_start3A_153 = arith.constant 0 : i32
      %dma_start3A_154 = tpu.memref_slice %arg11[%dma_start3A, %dma_start3A_152, %dma_start3A_153] : memref<2x64x512xf32, #tpu.memory_space<vmem>> -> memref<1x64x512xf32, #tpu.memory_space<vmem>>
      %dma_start3A_155 = tpu.memref_squeeze %dma_start3A_154 : memref<1x64x512xf32, #tpu.memory_space<vmem>> -> memref<64x512xf32, #tpu.memory_space<vmem>>
      %dma_start3A_156 = arith.constant 0 : i32
      %dma_start3A_157 = tpu.memref_slice %arg2[%dma_start3A_156, %multiple_of3A] : memref<64x1000000xf32, #tpu.memory_space<hbm>> -> memref<64x512xf32, #tpu.memory_space<hbm>>
      %dma_start3A_158 = arith.constant 0 : i32
      %dma_start3A_159 = arith.constant 0 : i32
      %dma_start3A_160 = tpu.memref_slice %arg11[%dma_start3A, %dma_start3A_158, %dma_start3A_159] : memref<2x64x512xf32, #tpu.memory_space<vmem>> -> memref<1x64x512xf32, #tpu.memory_space<vmem>>
      %dma_start3A_161 = tpu.memref_squeeze %dma_start3A_160 : memref<1x64x512xf32, #tpu.memory_space<vmem>> -> memref<64x512xf32, #tpu.memory_space<vmem>>
      %dma_start3A_162 = arith.constant 0 : i32
      %dma_start3A_163 = tpu.memref_slice %arg2[%dma_start3A_162, %multiple_of3A] : memref<64x1000000xf32, #tpu.memory_space<hbm>> -> memref<64x512xf32, #tpu.memory_space<hbm>>
      tpu.enqueue_dma source(%dma_start3A_163 : memref<64x512xf32, #tpu.memory_space<hbm>>) target(%dma_start3A_161 : memref<64x512xf32, #tpu.memory_space<vmem>>) target_semaphore(%arg15 : memref<!tpu.dma_semaphore, #tpu.memory_space<semaphore_mem>>)
    } else {
    }
    %scan3A_111 = arith.constant 0 : i32
    %scan3A_112 = arith.constant 0 : i32
    %scan3A_113 = arith.constant 0 : i32
    %scan3A_114 = arith.constant 32 : i32
    %scan3A_115 = arith.addi %scan3A_113, %scan3A_114 : i32
    %scan3A_116 = arith.constant 1 : i32
    %scan3A_117:2 = scf.for %scan3A_152 = %scan3A_113 to %scan3A_115 step %scan3A_116 iter_args(%scan3A_153 = %scan3A_111, %scan3A_154 = %scan3A_112) -> (i32, i32)  : i32 {
      %mul3A_155 = arith.constant 2 : i32
      %mul3A_156 = arith.muli %mul3A_155, %scan3A_152 : i32
      %add3A_157 = arith.constant 0 : i32
      %add3A_158 = arith.addi %mul3A_156, %add3A_157 : i32
      %lt3A = arith.cmpi slt, %add3A_158, %select_n3A_10 : i32
      %convert_element_type3A_159 = arith.extui %lt3A : i1 to i32
      %cond3A_160 = arith.constant 0 : i32
      %cond3A_161 = arith.cmpi ne, %convert_element_type3A_159, %cond3A_160 : i32
      %cond3A_162:2 = scf.if %cond3A_161 -> (i32, i32) {
        %add3A_172 = arith.constant 1 : i32
        %add3A_173 = arith.addi %add3A_158, %add3A_172 : i32
        %lt3A_174 = arith.cmpi slt, %add3A_173, %select_n3A_10 : i32
        %convert_element_type3A_175 = arith.extui %lt3A_174 : i1 to i32
        %cond3A_176 = arith.constant 0 : i32
        %cond3A_177 = arith.cmpi ne, %convert_element_type3A_175, %cond3A_176 : i32
        scf.if %cond3A_177 {
          %add3A_222 = arith.constant 1 : i32
          %add3A_223 = arith.addi %add3A_158, %add3A_222 : i32
          %mul3A_224 = arith.constant 512 : i32
          %mul3A_225 = arith.muli %add3A_223, %mul3A_224 : i32
          %add3A_226 = arith.addi %mul3A_2, %mul3A_225 : i32
          %multiple_of3A_227 = tpu.assume_multiple %add3A_226, 128 : i32
          %eq3A_228 = arith.constant 62 : i32
          %eq3A_229 = arith.cmpi eq, %add3A_223, %eq3A_228 : i32
          %not3A_230 = arith.constant true
          %not3A_231 = arith.xori %eq3A_229, %not3A_230 : i1
          %convert_element_type3A_232 = arith.extui %not3A_231 : i1 to i32
          %cond3A_233 = arith.constant 0 : i32
          %cond3A_234 = arith.cmpi ne, %convert_element_type3A_232, %cond3A_233 : i32
          scf.if %cond3A_234 {
            %dma_start3A = arith.constant 1 : i32
            %dma_start3A_238 = arith.constant 0 : i32
            %dma_start3A_239 = arith.constant 0 : i32
            %dma_start3A_240 = tpu.memref_slice %arg11[%dma_start3A, %dma_start3A_238, %dma_start3A_239] : memref<2x64x512xf32, #tpu.memory_space<vmem>> -> memref<1x64x512xf32, #tpu.memory_space<vmem>>
            %dma_start3A_241 = tpu.memref_squeeze %dma_start3A_240 : memref<1x64x512xf32, #tpu.memory_space<vmem>> -> memref<64x512xf32, #tpu.memory_space<vmem>>
            %dma_start3A_242 = arith.constant 0 : i32
            %dma_start3A_243 = tpu.memref_slice %arg2[%dma_start3A_242, %multiple_of3A_227] : memref<64x1000000xf32, #tpu.memory_space<hbm>> -> memref<64x512xf32, #tpu.memory_space<hbm>>
            %dma_start3A_244 = arith.constant 0 : i32
            %dma_start3A_245 = arith.constant 0 : i32
            %dma_start3A_246 = tpu.memref_slice %arg11[%dma_start3A, %dma_start3A_244, %dma_start3A_245] : memref<2x64x512xf32, #tpu.memory_space<vmem>> -> memref<1x64x512xf32, #tpu.memory_space<vmem>>
            %dma_start3A_247 = tpu.memref_squeeze %dma_start3A_246 : memref<1x64x512xf32, #tpu.memory_space<vmem>> -> memref<64x512xf32, #tpu.memory_space<vmem>>
            %dma_start3A_248 = arith.constant 0 : i32
            %dma_start3A_249 = tpu.memref_slice %arg2[%dma_start3A_248, %multiple_of3A_227] : memref<64x1000000xf32, #tpu.memory_space<hbm>> -> memref<64x512xf32, #tpu.memory_space<hbm>>
            tpu.enqueue_dma source(%dma_start3A_249 : memref<64x512xf32, #tpu.memory_space<hbm>>) target(%dma_start3A_247 : memref<64x512xf32, #tpu.memory_space<vmem>>) target_semaphore(%arg16 : memref<!tpu.dma_semaphore, #tpu.memory_space<semaphore_mem>>)
          } else {
          }
          %convert_element_type3A_235 = arith.extui %eq3A_229 : i1 to i32
          %cond3A_236 = arith.constant 0 : i32
          %cond3A_237 = arith.cmpi ne, %convert_element_type3A_235, %cond3A_236 : i32
          scf.if %cond3A_237 {
            %dma_start3A = arith.constant 1 : i32
            %dma_start3A_238 = arith.constant 0 : i32
            %dma_start3A_239 = arith.constant 0 : i32
            %dma_start3A_240 = tpu.memref_slice %arg11[%dma_start3A, %dma_start3A_238, %dma_start3A_239] : memref<2x64x512xf32, #tpu.memory_space<vmem>> -> memref<1x64x128xf32, #tpu.memory_space<vmem>>
            %dma_start3A_241 = tpu.memref_squeeze %dma_start3A_240 : memref<1x64x128xf32, #tpu.memory_space<vmem>> -> memref<64x128xf32, #tpu.memory_space<vmem>>
            %dma_start3A_242 = arith.constant 0 : i32
            %dma_start3A_243 = tpu.memref_slice %arg2[%dma_start3A_242, %multiple_of3A_227] : memref<64x1000000xf32, #tpu.memory_space<hbm>> -> memref<64x128xf32, #tpu.memory_space<hbm>>
            %dma_start3A_244 = arith.constant 0 : i32
            %dma_start3A_245 = arith.constant 0 : i32
            %dma_start3A_246 = tpu.memref_slice %arg11[%dma_start3A, %dma_start3A_244, %dma_start3A_245] : memref<2x64x512xf32, #tpu.memory_space<vmem>> -> memref<1x64x128xf32, #tpu.memory_space<vmem>>
            %dma_start3A_247 = tpu.memref_squeeze %dma_start3A_246 : memref<1x64x128xf32, #tpu.memory_space<vmem>> -> memref<64x128xf32, #tpu.memory_space<vmem>>
            %dma_start3A_248 = arith.constant 0 : i32
            %dma_start3A_249 = tpu.memref_slice %arg2[%dma_start3A_248, %multiple_of3A_227] : memref<64x1000000xf32, #tpu.memory_space<hbm>> -> memref<64x128xf32, #tpu.memory_space<hbm>>
            tpu.enqueue_dma source(%dma_start3A_249 : memref<64x128xf32, #tpu.memory_space<hbm>>) target(%dma_start3A_247 : memref<64x128xf32, #tpu.memory_space<vmem>>) target_semaphore(%arg16 : memref<!tpu.dma_semaphore, #tpu.memory_space<semaphore_mem>>)
          } else {
          }
        } else {
        }
        %eq3A_178 = arith.constant 62 : i32
        %eq3A_179 = arith.cmpi eq, %add3A_158, %eq3A_178 : i32
        %not3A_180 = arith.constant true
        %not3A_181 = arith.xori %eq3A_179, %not3A_180 : i1
        %convert_element_type3A_182 = arith.extui %not3A_181 : i1 to i32
        %cond3A_183 = arith.constant 0 : i32
        %cond3A_184 = arith.cmpi ne, %convert_element_type3A_182, %cond3A_183 : i32
        scf.if %cond3A_184 {
          %dma_wait3A_222 = arith.constant 0 : i32
          %dma_wait3A_223 = arith.constant 0 : i32
          %dma_wait3A_224 = arith.constant 0 : i32
          %dma_wait3A_225 = tpu.memref_slice %arg11[%dma_wait3A_222, %dma_wait3A_223, %dma_wait3A_224] : memref<2x64x512xf32, #tpu.memory_space<vmem>> -> memref<1x64x512xf32, #tpu.memory_space<vmem>>
          %dma_wait3A_226 = tpu.memref_squeeze %dma_wait3A_225 : memref<1x64x512xf32, #tpu.memory_space<vmem>> -> memref<64x512xf32, #tpu.memory_space<vmem>>
          %dma_wait3A_227 = arith.constant 0 : i32
          %dma_wait3A_228 = arith.constant 0 : i32
          %dma_wait3A_229 = tpu.memref_slice %arg2[%dma_wait3A_227, %dma_wait3A_228] : memref<64x1000000xf32, #tpu.memory_space<hbm>> -> memref<64x512xf32, #tpu.memory_space<hbm>>
          %dma_wait3A_230 = arith.constant 0 : i32
          %dma_wait3A_231 = arith.constant 0 : i32
          %dma_wait3A_232 = tpu.memref_slice %arg11[%dma_wait3A_222, %dma_wait3A_230, %dma_wait3A_231] : memref<2x64x512xf32, #tpu.memory_space<vmem>> -> memref<1x64x512xf32, #tpu.memory_space<vmem>>
          %dma_wait3A_233 = tpu.memref_squeeze %dma_wait3A_232 : memref<1x64x512xf32, #tpu.memory_space<vmem>> -> memref<64x512xf32, #tpu.memory_space<vmem>>
          %dma_wait3A_234 = arith.constant 0 : i32
          %dma_wait3A_235 = arith.constant 0 : i32
          %dma_wait3A_236 = tpu.memref_slice %arg2[%dma_wait3A_234, %dma_wait3A_235] : memref<64x1000000xf32, #tpu.memory_space<hbm>> -> memref<64x512xf32, #tpu.memory_space<hbm>>
          tpu.wait_dma2 semaphore(%arg15 : memref<!tpu.dma_semaphore, #tpu.memory_space<semaphore_mem>>) src(%dma_wait3A_236 : memref<64x512xf32, #tpu.memory_space<hbm>>) dst(%dma_wait3A_233 : memref<64x512xf32, #tpu.memory_space<vmem>>)
        } else {
        }
        %convert_element_type3A_185 = arith.extui %eq3A_179 : i1 to i32
        %cond3A_186 = arith.constant 0 : i32
        %cond3A_187 = arith.cmpi ne, %convert_element_type3A_185, %cond3A_186 : i32
        scf.if %cond3A_187 {
          %dma_wait3A_222 = arith.constant 0 : i32
          %dma_wait3A_223 = arith.constant 0 : i32
          %dma_wait3A_224 = arith.constant 0 : i32
          %dma_wait3A_225 = tpu.memref_slice %arg11[%dma_wait3A_222, %dma_wait3A_223, %dma_wait3A_224] : memref<2x64x512xf32, #tpu.memory_space<vmem>> -> memref<1x64x128xf32, #tpu.memory_space<vmem>>
          %dma_wait3A_226 = tpu.memref_squeeze %dma_wait3A_225 : memref<1x64x128xf32, #tpu.memory_space<vmem>> -> memref<64x128xf32, #tpu.memory_space<vmem>>
          %dma_wait3A_227 = arith.constant 0 : i32
          %dma_wait3A_228 = arith.constant 0 : i32
          %dma_wait3A_229 = tpu.memref_slice %arg2[%dma_wait3A_227, %dma_wait3A_228] : memref<64x1000000xf32, #tpu.memory_space<hbm>> -> memref<64x128xf32, #tpu.memory_space<hbm>>
          %dma_wait3A_230 = arith.constant 0 : i32
          %dma_wait3A_231 = arith.constant 0 : i32
          %dma_wait3A_232 = tpu.memref_slice %arg11[%dma_wait3A_222, %dma_wait3A_230, %dma_wait3A_231] : memref<2x64x512xf32, #tpu.memory_space<vmem>> -> memref<1x64x128xf32, #tpu.memory_space<vmem>>
          %dma_wait3A_233 = tpu.memref_squeeze %dma_wait3A_232 : memref<1x64x128xf32, #tpu.memory_space<vmem>> -> memref<64x128xf32, #tpu.memory_space<vmem>>
          %dma_wait3A_234 = arith.constant 0 : i32
          %dma_wait3A_235 = arith.constant 0 : i32
          %dma_wait3A_236 = tpu.memref_slice %arg2[%dma_wait3A_234, %dma_wait3A_235] : memref<64x1000000xf32, #tpu.memory_space<hbm>> -> memref<64x128xf32, #tpu.memory_space<hbm>>
          tpu.wait_dma2 semaphore(%arg15 : memref<!tpu.dma_semaphore, #tpu.memory_space<semaphore_mem>>) src(%dma_wait3A_236 : memref<64x128xf32, #tpu.memory_space<hbm>>) dst(%dma_wait3A_233 : memref<64x128xf32, #tpu.memory_space<vmem>>)
        } else {
        }
        %broadcast_in_dim3A_188 = vector.broadcast %add3A_158 : i32 to vector<16xi32>
        %gather3A_189 = tpu.vector_load_idx %arg9[%broadcast_in_dim3A_188] : memref<64xi32, #tpu.memory_space<vmem>>[vector<16xi32>], vector<16xi32>,
        %eq3A_190 = arith.constant 0 : i32
        %eq3A_191 = vector.broadcast %eq3A_190 : i32 to vector<16xi32>
        %eq3A_192 = arith.cmpi eq, %iota3A, %eq3A_191 : vector<16xi32>
        %jit3A_193 = arith.constant 0 : i32
        %broadcast_in_dim3A_194 = vector.broadcast %jit3A_193 : i32 to vector<16xi32>
        %select_n3A_195 = arith.select %eq3A_192, %gather3A_189, %broadcast_in_dim3A_194 : vector<16xi1>, vector<16xi32>
        %reduce_sum3A = arith.constant true
        %reduce_sum3A_196 = vector.broadcast %reduce_sum3A : i1 to vector<16xi1>
        %reduce_sum3A_197 = tpu.scan <sum>, %select_n3A_195 masked %reduce_sum3A_196 : vector<16xi32>, vector<16xi1> -> vector<16xi32>
        %reduce_sum3A_198 = vector.extract %reduce_sum3A_197[15] : i32 from vector<16xi32>
        %gather3A_199 = tpu.vector_load_idx %arg10[%broadcast_in_dim3A_188] : memref<64xi32, #tpu.memory_space<vmem>>[vector<16xi32>], vector<16xi32>,
        %eq3A_200 = arith.constant 0 : i32
        %eq3A_201 = vector.broadcast %eq3A_200 : i32 to vector<16xi32>
        %eq3A_202 = arith.cmpi eq, %iota3A, %eq3A_201 : vector<16xi32>
        %jit3A_203 = arith.constant 0 : i32
        %broadcast_in_dim3A_204 = vector.broadcast %jit3A_203 : i32 to vector<16xi32>
        %select_n3A_205 = arith.select %eq3A_202, %gather3A_199, %broadcast_in_dim3A_204 : vector<16xi1>, vector<16xi32>
        %reduce_sum3A_206 = arith.constant true
        %reduce_sum3A_207 = vector.broadcast %reduce_sum3A_206 : i1 to vector<16xi1>
        %reduce_sum3A_208 = tpu.scan <sum>, %select_n3A_205 masked %reduce_sum3A_207 : vector<16xi32>, vector<16xi1> -> vector<16xi32>
        %reduce_sum3A_209 = vector.extract %reduce_sum3A_208[15] : i32 from vector<16xi32>
        %mul3A_210 = arith.constant 512 : i32
        %mul3A_211 = arith.muli %add3A_158, %mul3A_210 : i32
        %add3A_212 = arith.addi %mul3A_2, %mul3A_211 : i32
        %while3A = arith.subi %reduce_sum3A_209, %reduce_sum3A_198 : i32
        %while3A_213 = arith.addi %reduce_sum3A_198, %while3A : i32
        %while3A_214 = arith.constant 1 : i32
        %while3A_215 = arith.divsi %while3A, %while3A_214 : i32
        %while3A_216 = arith.muli %while3A_215, %while3A_214 : i32
        %while3A_217 = arith.addi %reduce_sum3A_198, %while3A_216 : i32
        %while3A_218 = arith.constant 1 : i32
        %while3A_219:2 = scf.for %while3A_222 = %reduce_sum3A_198 to %while3A_217 step %while3A_218 iter_args(%while3A_223 = %scan3A_153, %while3A_224 = %scan3A_154) -> (i32, i32)  : i32 {
          %and3A_225 = arith.constant -16 : i32
          %and3A_226 = arith.andi %while3A_222, %and3A_225 : i32
          %and3A_227 = arith.constant 15 : i32
          %and3A_228 = arith.andi %while3A_222, %and3A_227 : i32
          %get3A_229 = arith.index_cast %and3A_226 : i32 to index
          %get3A_230 = tpu.vector_load %arg6[%get3A_229] {strides = array<i32>} : memref<16400xi32, #tpu.memory_space<vmem>>, vector<16xi32>,
          %eq3A_231 = vector.broadcast %and3A_228 : i32 to vector<16xi32>
          %eq3A_232 = arith.cmpi eq, %iota3A, %eq3A_231 : vector<16xi32>
          %jit3A_233 = arith.constant 0 : i32
          %broadcast_in_dim3A_234 = vector.broadcast %jit3A_233 : i32 to vector<16xi32>
          %select_n3A_235 = arith.select %eq3A_232, %get3A_230, %broadcast_in_dim3A_234 : vector<16xi1>, vector<16xi32>
          %reduce_sum3A_236 = arith.constant true
          %reduce_sum3A_237 = vector.broadcast %reduce_sum3A_236 : i1 to vector<16xi1>
          %reduce_sum3A_238 = tpu.scan <sum>, %select_n3A_235 masked %reduce_sum3A_237 : vector<16xi32>, vector<16xi1> -> vector<16xi32>
          %reduce_sum3A_239 = vector.extract %reduce_sum3A_238[15] : i32 from vector<16xi32>
          %get3A_240 = arith.index_cast %and3A_226 : i32 to index
          %get3A_241 = tpu.vector_load %arg7[%get3A_240] {strides = array<i32>} : memref<16400xi32, #tpu.memory_space<vmem>>, vector<16xi32>,
          %eq3A_242 = vector.broadcast %and3A_228 : i32 to vector<16xi32>
          %eq3A_243 = arith.cmpi eq, %iota3A, %eq3A_242 : vector<16xi32>
          %jit3A_244 = arith.constant 0 : i32
          %broadcast_in_dim3A_245 = vector.broadcast %jit3A_244 : i32 to vector<16xi32>
          %select_n3A_246 = arith.select %eq3A_243, %get3A_241, %broadcast_in_dim3A_245 : vector<16xi1>, vector<16xi32>
          %reduce_sum3A_247 = arith.constant true
          %reduce_sum3A_248 = vector.broadcast %reduce_sum3A_247 : i1 to vector<16xi1>
          %reduce_sum3A_249 = tpu.scan <sum>, %select_n3A_246 masked %reduce_sum3A_248 : vector<16xi32>, vector<16xi1> -> vector<16xi32>
          %reduce_sum3A_250 = vector.extract %reduce_sum3A_249[15] : i32 from vector<16xi32>
          %sub3A_251 = arith.subi %reduce_sum3A_239, %add3A_212 : i32
          %broadcast_in_dim3A_252 = vector.broadcast %sub3A_251 : i32 to vector<16xi32>
          %broadcast_in_dim3A_253 = arith.constant 0 : i32
          %broadcast_in_dim3A_254 = vector.broadcast %broadcast_in_dim3A_253 : i32 to vector<16xi32>
          %add3A_255 = arith.constant 0 : i32
          %add3A_256 = vector.broadcast %add3A_255 : i32 to vector<16xi32>
          %add3A_257 = arith.addi %iota3A, %add3A_256 : vector<16xi32>
          %gather3A_258 = tpu.vector_load_idx %arg11[%broadcast_in_dim3A_254, %add3A_257, %broadcast_in_dim3A_252] : memref<2x64x512xf32, #tpu.memory_space<vmem>>[vector<16xi32>, vector<16xi32>, vector<16xi32>], vector<16xf32>,
          %add3A_259 = arith.constant 16 : i32
          %add3A_260 = vector.broadcast %add3A_259 : i32 to vector<16xi32>
          %add3A_261 = arith.addi %iota3A, %add3A_260 : vector<16xi32>
          %gather3A_262 = tpu.vector_load_idx %arg11[%broadcast_in_dim3A_254, %add3A_261, %broadcast_in_dim3A_252] : memref<2x64x512xf32, #tpu.memory_space<vmem>>[vector<16xi32>, vector<16xi32>, vector<16xi32>], vector<16xf32>,
          %add3A_263 = arith.constant 32 : i32
          %add3A_264 = vector.broadcast %add3A_263 : i32 to vector<16xi32>
          %add3A_265 = arith.addi %iota3A, %add3A_264 : vector<16xi32>
          %gather3A_266 = tpu.vector_load_idx %arg11[%broadcast_in_dim3A_254, %add3A_265, %broadcast_in_dim3A_252] : memref<2x64x512xf32, #tpu.memory_space<vmem>>[vector<16xi32>, vector<16xi32>, vector<16xi32>], vector<16xf32>,
          %add3A_267 = arith.constant 48 : i32
          %add3A_268 = vector.broadcast %add3A_267 : i32 to vector<16xi32>
          %add3A_269 = arith.addi %iota3A, %add3A_268 : vector<16xi32>
          %gather3A_270 = tpu.vector_load_idx %arg11[%broadcast_in_dim3A_254, %add3A_269, %broadcast_in_dim3A_252] : memref<2x64x512xf32, #tpu.memory_space<vmem>>[vector<16xi32>, vector<16xi32>, vector<16xi32>], vector<16xf32>,
          %exp3A = math.exp %gather3A_258 : vector<16xf32>
          %exp3A_271 = math.exp %gather3A_262 : vector<16xf32>
          %exp3A_272 = math.exp %gather3A_266 : vector<16xf32>
          %exp3A_273 = math.exp %gather3A_270 : vector<16xf32>
          %add3A_274 = arith.addf %exp3A, %exp3A_271 : vector<16xf32>
          %add3A_275 = arith.addf %exp3A_272, %exp3A_273 : vector<16xf32>
          %add3A_276 = arith.addf %add3A_274, %add3A_275 : vector<16xf32>
          %broadcast_in_dim3A_277 = arith.constant true
          %broadcast_in_dim3A_278 = vector.broadcast %broadcast_in_dim3A_277 : i1 to vector<16xi1>
          %masked_cumsum3A_279 = tpu.scan <sum>, %add3A_276 masked %broadcast_in_dim3A_278 : vector<16xf32>, vector<16xi1> -> vector<16xf32>
          %broadcast_in_dim3A_280 = arith.constant 15 : i32
          %broadcast_in_dim3A_281 = vector.broadcast %broadcast_in_dim3A_280 : i32 to vector<16x1xi32>
          %gather3A_282 = vector.shape_cast %broadcast_in_dim3A_281 : vector<16x1xi32> to vector<16xi32>
          %gather3A_283 = tpu.dynamic_gather %masked_cumsum3A_279[%gather3A_282] in [0] : vector<16xf32>, vector<16xi32> -> vector<16xf32>
          %div3A = arith.constant 1.000000e+00 : f32
          %div3A_284 = vector.broadcast %div3A : f32 to vector<16xf32>
          %div3A_285 = arith.divf %div3A_284, %gather3A_283 : vector<16xf32>
          %and3A_286 = arith.constant 1 : i32
          %and3A_287 = arith.andi %while3A_224, %and3A_286 : i32
          %mul3A_288 = arith.mulf %exp3A, %div3A_285 : vector<16xf32>
          %swap3A_289 = arith.index_cast %and3A_287 : i32 to index
          %swap3A_290 = arith.index_cast %while3A_223 : i32 to index
          %swap3A_291 = arith.constant 0 : index
          %swap3A_292 = tpu.vector_load %arg12[%swap3A_289, %swap3A_290, %swap3A_291] {strides = array<i32>} : memref<2x48x128xf32, #tpu.memory_space<vmem>>, vector<16xf32>,
          tpu.vector_store %arg12[%swap3A_289, %swap3A_290, %swap3A_291], %mul3A_288 {strides = array<i32>} : memref<2x48x128xf32, #tpu.memory_space<vmem>>, vector<16xf32>,
          %mul3A_293 = arith.mulf %exp3A_271, %div3A_285 : vector<16xf32>
          %swap3A_294 = arith.index_cast %and3A_287 : i32 to index
          %swap3A_295 = arith.index_cast %while3A_223 : i32 to index
          %swap3A_296 = arith.constant 16 : index
          %swap3A_297 = tpu.vector_load %arg12[%swap3A_294, %swap3A_295, %swap3A_296] {strides = array<i32>} : memref<2x48x128xf32, #tpu.memory_space<vmem>>, vector<16xf32>,
          tpu.vector_store %arg12[%swap3A_294, %swap3A_295, %swap3A_296], %mul3A_293 {strides = array<i32>} : memref<2x48x128xf32, #tpu.memory_space<vmem>>, vector<16xf32>,
          %mul3A_298 = arith.mulf %exp3A_272, %div3A_285 : vector<16xf32>
          %swap3A_299 = arith.index_cast %and3A_287 : i32 to index
          %swap3A_300 = arith.index_cast %while3A_223 : i32 to index
          %swap3A_301 = arith.constant 32 : index
          %swap3A_302 = tpu.vector_load %arg12[%swap3A_299, %swap3A_300, %swap3A_301] {strides = array<i32>} : memref<2x48x128xf32, #tpu.memory_space<vmem>>, vector<16xf32>,
          tpu.vector_store %arg12[%swap3A_299, %swap3A_300, %swap3A_301], %mul3A_298 {strides = array<i32>} : memref<2x48x128xf32, #tpu.memory_space<vmem>>, vector<16xf32>,
          %mul3A_303 = arith.mulf %exp3A_273, %div3A_285 : vector<16xf32>
          %swap3A_304 = arith.index_cast %and3A_287 : i32 to index
          %swap3A_305 = arith.index_cast %while3A_223 : i32 to index
          %swap3A_306 = arith.constant 48 : index
          %swap3A_307 = tpu.vector_load %arg12[%swap3A_304, %swap3A_305, %swap3A_306] {strides = array<i32>} : memref<2x48x128xf32, #tpu.memory_space<vmem>>, vector<16xf32>,
          tpu.vector_store %arg12[%swap3A_304, %swap3A_305, %swap3A_306], %mul3A_303 {strides = array<i32>} : memref<2x48x128xf32, #tpu.memory_space<vmem>>, vector<16xf32>,
          %broadcast_in_dim3A_308 = vector.broadcast %reduce_sum3A_250 : i32 to vector<16xi32>
          %broadcast_in_dim3A_309 = vector.broadcast %while3A_223 : i32 to vector<16xi32>
          %eq3A_310 = arith.constant 0 : i32
          %eq3A_311 = arith.cmpi eq, %and3A_287, %eq3A_310 : i32
          %convert_element_type3A_312 = arith.extui %eq3A_311 : i1 to i32
          %cond3A_313 = arith.constant 0 : i32
          %cond3A_314 = arith.cmpi ne, %convert_element_type3A_312, %cond3A_313 : i32
          scf.if %cond3A_314 {
            %eq3A_330 = arith.constant 0 : i32
            %eq3A_331 = vector.broadcast %eq3A_330 : i32 to vector<16xi32>
            %eq3A_332 = arith.cmpi eq, %iota3A, %eq3A_331 : vector<16xi32>
            tpu.vector_store_idx %arg13[%broadcast_in_dim3A_309], %broadcast_in_dim3A_308 masked %eq3A_332 : memref<48xi32, #tpu.memory_space<vmem>>[vector<16xi32>], vector<16xi32>, vector<16xi1>
          } else {
          }
          %eq3A_315 = arith.constant 1 : i32
          %eq3A_316 = arith.cmpi eq, %and3A_287, %eq3A_315 : i32
          %convert_element_type3A_317 = arith.extui %eq3A_316 : i1 to i32
          %cond3A_318 = arith.constant 0 : i32
          %cond3A_319 = arith.cmpi ne, %convert_element_type3A_317, %cond3A_318 : i32
          scf.if %cond3A_319 {
            %eq3A_330 = arith.constant 0 : i32
            %eq3A_331 = vector.broadcast %eq3A_330 : i32 to vector<16xi32>
            %eq3A_332 = arith.cmpi eq, %iota3A, %eq3A_331 : vector<16xi32>
            tpu.vector_store_idx %arg14[%broadcast_in_dim3A_309], %broadcast_in_dim3A_308 masked %eq3A_332 : memref<48xi32, #tpu.memory_space<vmem>>[vector<16xi32>], vector<16xi32>, vector<16xi1>
          } else {
          }
          %eq3A_320 = arith.constant 47 : i32
          %eq3A_321 = arith.cmpi eq, %while3A_223, %eq3A_320 : i32
          %convert_element_type3A_322 = arith.extui %eq3A_321 : i1 to i32
          %cond3A_323 = arith.constant 0 : i32
          %cond3A_324 = arith.cmpi ne, %convert_element_type3A_322, %cond3A_323 : i32
          %cond3A_325 = scf.if %cond3A_324 -> (i32) {
            %and3A_330 = arith.constant 1 : i32
            %and3A_331 = arith.andi %while3A_224, %and3A_330 : i32
            %eq3A_332 = arith.constant 0 : i32
            %eq3A_333 = arith.cmpi eq, %and3A_331, %eq3A_332 : i32
            %convert_element_type3A_334 = arith.extui %eq3A_333 : i1 to i32
            %cond3A_335 = arith.constant 0 : i32
            %cond3A_336 = arith.cmpi ne, %convert_element_type3A_334, %cond3A_335 : i32
            scf.if %cond3A_336 {
              %add3A_351 = arith.constant 0 : i32
              %add3A_352 = vector.broadcast %add3A_351 : i32 to vector<16xi32>
              %add3A_353 = arith.addi %iota3A, %add3A_352 : vector<16xi32>
              %get3A_354 = arith.constant 0 : index
              %get3A_355 = tpu.vector_load %arg13[%get3A_354] {strides = array<i32>} : memref<48xi32, #tpu.memory_space<vmem>>, vector<16xi32>,
              %lt3A_356 = arith.constant 48 : i32
              %lt3A_357 = vector.broadcast %lt3A_356 : i32 to vector<16xi32>
              %lt3A_358 = arith.cmpi slt, %add3A_353, %lt3A_357 : vector<16xi32>
              %select_n3A_359 = arith.select %lt3A_358, %get3A_355, %add3A_105 : vector<16xi1>, vector<16xi32>
              %swap3A_360 = arith.constant 0 : index
              %swap3A_361 = tpu.vector_load %arg13[%swap3A_360] {strides = array<i32>} : memref<48xi32, #tpu.memory_space<vmem>>, vector<16xi32>,
              tpu.vector_store %arg13[%swap3A_360], %select_n3A_359 {strides = array<i32>} : memref<48xi32, #tpu.memory_space<vmem>>, vector<16xi32>,
              %add3A_362 = arith.constant 16 : i32
              %add3A_363 = vector.broadcast %add3A_362 : i32 to vector<16xi32>
              %add3A_364 = arith.addi %iota3A, %add3A_363 : vector<16xi32>
              %get3A_365 = arith.constant 16 : index
              %get3A_366 = tpu.vector_load %arg13[%get3A_365] {strides = array<i32>} : memref<48xi32, #tpu.memory_space<vmem>>, vector<16xi32>,
              %lt3A_367 = arith.constant 48 : i32
              %lt3A_368 = vector.broadcast %lt3A_367 : i32 to vector<16xi32>
              %lt3A_369 = arith.cmpi slt, %add3A_364, %lt3A_368 : vector<16xi32>
              %select_n3A_370 = arith.select %lt3A_369, %get3A_366, %add3A_105 : vector<16xi1>, vector<16xi32>
              %swap3A_371 = arith.constant 16 : index
              %swap3A_372 = tpu.vector_load %arg13[%swap3A_371] {strides = array<i32>} : memref<48xi32, #tpu.memory_space<vmem>>, vector<16xi32>,
              tpu.vector_store %arg13[%swap3A_371], %select_n3A_370 {strides = array<i32>} : memref<48xi32, #tpu.memory_space<vmem>>, vector<16xi32>,
              %add3A_373 = arith.constant 32 : i32
              %add3A_374 = vector.broadcast %add3A_373 : i32 to vector<16xi32>
              %add3A_375 = arith.addi %iota3A, %add3A_374 : vector<16xi32>
              %get3A_376 = arith.constant 32 : index
              %get3A_377 = tpu.vector_load %arg13[%get3A_376] {strides = array<i32>} : memref<48xi32, #tpu.memory_space<vmem>>, vector<16xi32>,
              %lt3A_378 = arith.constant 48 : i32
              %lt3A_379 = vector.broadcast %lt3A_378 : i32 to vector<16xi32>
              %lt3A_380 = arith.cmpi slt, %add3A_375, %lt3A_379 : vector<16xi32>
              %select_n3A_381 = arith.select %lt3A_380, %get3A_377, %add3A_105 : vector<16xi1>, vector<16xi32>
              %swap3A_382 = arith.constant 32 : index
              %swap3A_383 = tpu.vector_load %arg13[%swap3A_382] {strides = array<i32>} : memref<48xi32, #tpu.memory_space<vmem>>, vector<16xi32>,
              tpu.vector_store %arg13[%swap3A_382], %select_n3A_381 {strides = array<i32>} : memref<48xi32, #tpu.memory_space<vmem>>, vector<16xi32>,
              %dma_start3A = arith.constant 0 : i32
              %dma_start3A_384 = arith.constant 0 : i32
              %dma_start3A_385 = arith.constant 0 : i32
              %dma_start3A_386 = tpu.memref_slice %arg12[%dma_start3A, %dma_start3A_384, %dma_start3A_385] : memref<2x48x128xf32, #tpu.memory_space<vmem>> -> memref<1x48x128xf32, #tpu.memory_space<vmem>>
              %dma_start3A_387 = tpu.memref_squeeze %dma_start3A_386 : memref<1x48x128xf32, #tpu.memory_space<vmem>> -> memref<48x128xf32, #tpu.memory_space<vmem>>
              %dma_start3A_388 = arith.constant 0 : i32
              %dma_start3A_389 = arith.constant 0 : i32
              %dma_start3A_390 = tpu.memref_slice %arg4[%dma_start3A_388, %dma_start3A_389] : memref<16416x128xf32, #tpu.memory_space<hbm>> -> memref<16416x128xf32, #tpu.memory_space<hbm>>
              tpu.enqueue_indirect_dma source(%dma_start3A_387 : memref<48x128xf32, #tpu.memory_space<vmem>>) target(%dma_start3A_390 : memref<16416x128xf32, #tpu.memory_space<hbm>>) offsets(%arg13 : memref<48xi32, #tpu.memory_space<vmem>>) semaphore(%arg17 : memref<!tpu.dma_semaphore, #tpu.memory_space<semaphore_mem>>)
            } else {
            }
            %and3A_337 = arith.constant 1 : i32
            %and3A_338 = arith.andi %while3A_224, %and3A_337 : i32
            %eq3A_339 = arith.constant 1 : i32
            %eq3A_340 = arith.cmpi eq, %and3A_338, %eq3A_339 : i32
            %convert_element_type3A_341 = arith.extui %eq3A_340 : i1 to i32
            %cond3A_342 = arith.constant 0 : i32
            %cond3A_343 = arith.cmpi ne, %convert_element_type3A_341, %cond3A_342 : i32
            scf.if %cond3A_343 {
              %add3A_351 = arith.constant 0 : i32
              %add3A_352 = vector.broadcast %add3A_351 : i32 to vector<16xi32>
              %add3A_353 = arith.addi %iota3A, %add3A_352 : vector<16xi32>
              %get3A_354 = arith.constant 0 : index
              %get3A_355 = tpu.vector_load %arg14[%get3A_354] {strides = array<i32>} : memref<48xi32, #tpu.memory_space<vmem>>, vector<16xi32>,
              %lt3A_356 = arith.constant 48 : i32
              %lt3A_357 = vector.broadcast %lt3A_356 : i32 to vector<16xi32>
              %lt3A_358 = arith.cmpi slt, %add3A_353, %lt3A_357 : vector<16xi32>
              %select_n3A_359 = arith.select %lt3A_358, %get3A_355, %add3A_105 : vector<16xi1>, vector<16xi32>
              %swap3A_360 = arith.constant 0 : index
              %swap3A_361 = tpu.vector_load %arg14[%swap3A_360] {strides = array<i32>} : memref<48xi32, #tpu.memory_space<vmem>>, vector<16xi32>,
              tpu.vector_store %arg14[%swap3A_360], %select_n3A_359 {strides = array<i32>} : memref<48xi32, #tpu.memory_space<vmem>>, vector<16xi32>,
              %add3A_362 = arith.constant 16 : i32
              %add3A_363 = vector.broadcast %add3A_362 : i32 to vector<16xi32>
              %add3A_364 = arith.addi %iota3A, %add3A_363 : vector<16xi32>
              %get3A_365 = arith.constant 16 : index
              %get3A_366 = tpu.vector_load %arg14[%get3A_365] {strides = array<i32>} : memref<48xi32, #tpu.memory_space<vmem>>, vector<16xi32>,
              %lt3A_367 = arith.constant 48 : i32
              %lt3A_368 = vector.broadcast %lt3A_367 : i32 to vector<16xi32>
              %lt3A_369 = arith.cmpi slt, %add3A_364, %lt3A_368 : vector<16xi32>
              %select_n3A_370 = arith.select %lt3A_369, %get3A_366, %add3A_105 : vector<16xi1>, vector<16xi32>
              %swap3A_371 = arith.constant 16 : index
              %swap3A_372 = tpu.vector_load %arg14[%swap3A_371] {strides = array<i32>} : memref<48xi32, #tpu.memory_space<vmem>>, vector<16xi32>,
              tpu.vector_store %arg14[%swap3A_371], %select_n3A_370 {strides = array<i32>} : memref<48xi32, #tpu.memory_space<vmem>>, vector<16xi32>,
              %add3A_373 = arith.constant 32 : i32
              %add3A_374 = vector.broadcast %add3A_373 : i32 to vector<16xi32>
              %add3A_375 = arith.addi %iota3A, %add3A_374 : vector<16xi32>
              %get3A_376 = arith.constant 32 : index
              %get3A_377 = tpu.vector_load %arg14[%get3A_376] {strides = array<i32>} : memref<48xi32, #tpu.memory_space<vmem>>, vector<16xi32>,
              %lt3A_378 = arith.constant 48 : i32
              %lt3A_379 = vector.broadcast %lt3A_378 : i32 to vector<16xi32>
              %lt3A_380 = arith.cmpi slt, %add3A_375, %lt3A_379 : vector<16xi32>
              %select_n3A_381 = arith.select %lt3A_380, %get3A_377, %add3A_105 : vector<16xi1>, vector<16xi32>
              %swap3A_382 = arith.constant 32 : index
              %swap3A_383 = tpu.vector_load %arg14[%swap3A_382] {strides = array<i32>} : memref<48xi32, #tpu.memory_space<vmem>>, vector<16xi32>,
              tpu.vector_store %arg14[%swap3A_382], %select_n3A_381 {strides = array<i32>} : memref<48xi32, #tpu.memory_space<vmem>>, vector<16xi32>,
              %dma_start3A = arith.constant 1 : i32
              %dma_start3A_384 = arith.constant 0 : i32
              %dma_start3A_385 = arith.constant 0 : i32
              %dma_start3A_386 = tpu.memref_slice %arg12[%dma_start3A, %dma_start3A_384, %dma_start3A_385] : memref<2x48x128xf32, #tpu.memory_space<vmem>> -> memref<1x48x128xf32, #tpu.memory_space<vmem>>
              %dma_start3A_387 = tpu.memref_squeeze %dma_start3A_386 : memref<1x48x128xf32, #tpu.memory_space<vmem>> -> memref<48x128xf32, #tpu.memory_space<vmem>>
              %dma_start3A_388 = arith.constant 0 : i32
              %dma_start3A_389 = arith.constant 0 : i32
              %dma_start3A_390 = tpu.memref_slice %arg4[%dma_start3A_388, %dma_start3A_389] : memref<16416x128xf32, #tpu.memory_space<hbm>> -> memref<16416x128xf32, #tpu.memory_space<hbm>>
              tpu.enqueue_indirect_dma source(%dma_start3A_387 : memref<48x128xf32, #tpu.memory_space<vmem>>) target(%dma_start3A_390 : memref<16416x128xf32, #tpu.memory_space<hbm>>) offsets(%arg14 : memref<48xi32, #tpu.memory_space<vmem>>) semaphore(%arg17 : memref<!tpu.dma_semaphore, #tpu.memory_space<semaphore_mem>>)
            } else {
            }
            %gt3A_344 = arith.constant 0 : i32
            %gt3A_345 = arith.cmpi sgt, %while3A_224, %gt3A_344 : i32
            %convert_element_type3A_346 = arith.extui %gt3A_345 : i1 to i32
            %cond3A_347 = arith.constant 0 : i32
            %cond3A_348 = arith.cmpi ne, %convert_element_type3A_346, %cond3A_347 : i32
            scf.if %cond3A_348 {
              %dma_wait3A_351 = arith.constant 0 : i32
              %dma_wait3A_352 = arith.constant 0 : i32
              %dma_wait3A_353 = arith.constant 0 : i32
              %dma_wait3A_354 = tpu.memref_slice %arg12[%dma_wait3A_351, %dma_wait3A_352, %dma_wait3A_353] : memref<2x48x128xf32, #tpu.memory_space<vmem>> -> memref<1x48x128xf32, #tpu.memory_space<vmem>>
              %dma_wait3A_355 = tpu.memref_squeeze %dma_wait3A_354 : memref<1x48x128xf32, #tpu.memory_space<vmem>> -> memref<48x128xf32, #tpu.memory_space<vmem>>
              %dma_wait3A_356 = arith.constant 0 : i32
              %dma_wait3A_357 = arith.constant 0 : i32
              %dma_wait3A_358 = tpu.memref_slice %arg2[%dma_wait3A_356, %dma_wait3A_357] : memref<64x1000000xf32, #tpu.memory_space<hbm>> -> memref<48x128xf32, #tpu.memory_space<hbm>>
              %dma_wait3A_359 = arith.constant 0 : i32
              %dma_wait3A_360 = arith.constant 0 : i32
              %dma_wait3A_361 = tpu.memref_slice %arg12[%dma_wait3A_351, %dma_wait3A_359, %dma_wait3A_360] : memref<2x48x128xf32, #tpu.memory_space<vmem>> -> memref<1x48x128xf32, #tpu.memory_space<vmem>>
              %dma_wait3A_362 = tpu.memref_squeeze %dma_wait3A_361 : memref<1x48x128xf32, #tpu.memory_space<vmem>> -> memref<48x128xf32, #tpu.memory_space<vmem>>
              %dma_wait3A_363 = arith.constant 0 : i32
              %dma_wait3A_364 = arith.constant 0 : i32
              %dma_wait3A_365 = tpu.memref_slice %arg2[%dma_wait3A_363, %dma_wait3A_364] : memref<64x1000000xf32, #tpu.memory_space<hbm>> -> memref<48x128xf32, #tpu.memory_space<hbm>>
              tpu.wait_dma2 semaphore(%arg17 : memref<!tpu.dma_semaphore, #tpu.memory_space<semaphore_mem>>) src(%dma_wait3A_365 : memref<48x128xf32, #tpu.memory_space<hbm>>) dst(%dma_wait3A_362 : memref<48x128xf32, #tpu.memory_space<vmem>>)
            } else {
            }
            %add3A_349 = arith.constant 1 : i32
            %add3A_350 = arith.addi %while3A_224, %add3A_349 : i32
            scf.yield %add3A_350 : i32
          } else {
            scf.yield %while3A_224 : i32
          }
          %add3A_326 = arith.constant 1 : i32
          %add3A_327 = arith.addi %while3A_223, %add3A_326 : i32
          %jit3A_328 = arith.constant 0 : i32
          %select_n3A_329 = arith.select %eq3A_321, %jit3A_328, %add3A_327 : i32
          scf.yield %select_n3A_329, %cond3A_325 : i32, i32
        }
        %while3A_220 = arith.constant 1 : i32
        %while3A_221:2 = scf.for %while3A_222 = %while3A_217 to %while3A_213 step %while3A_220 iter_args(%while3A_223 = %while3A_219#0, %while3A_224 = %while3A_219#1) -> (i32, i32)  : i32 {
          %and3A_225 = arith.constant -16 : i32
          %and3A_226 = arith.andi %while3A_222, %and3A_225 : i32
          %and3A_227 = arith.constant 15 : i32
          %and3A_228 = arith.andi %while3A_222, %and3A_227 : i32
          %get3A_229 = arith.index_cast %and3A_226 : i32 to index
          %get3A_230 = tpu.vector_load %arg6[%get3A_229] {strides = array<i32>} : memref<16400xi32, #tpu.memory_space<vmem>>, vector<16xi32>,
          %eq3A_231 = vector.broadcast %and3A_228 : i32 to vector<16xi32>
          %eq3A_232 = arith.cmpi eq, %iota3A, %eq3A_231 : vector<16xi32>
          %jit3A_233 = arith.constant 0 : i32
          %broadcast_in_dim3A_234 = vector.broadcast %jit3A_233 : i32 to vector<16xi32>
          %select_n3A_235 = arith.select %eq3A_232, %get3A_230, %broadcast_in_dim3A_234 : vector<16xi1>, vector<16xi32>
          %reduce_sum3A_236 = arith.constant true
          %reduce_sum3A_237 = vector.broadcast %reduce_sum3A_236 : i1 to vector<16xi1>
          %reduce_sum3A_238 = tpu.scan <sum>, %select_n3A_235 masked %reduce_sum3A_237 : vector<16xi32>, vector<16xi1> -> vector<16xi32>
          %reduce_sum3A_239 = vector.extract %reduce_sum3A_238[15] : i32 from vector<16xi32>
          %get3A_240 = arith.index_cast %and3A_226 : i32 to index
          %get3A_241 = tpu.vector_load %arg7[%get3A_240] {strides = array<i32>} : memref<16400xi32, #tpu.memory_space<vmem>>, vector<16xi32>,
          %eq3A_242 = vector.broadcast %and3A_228 : i32 to vector<16xi32>
          %eq3A_243 = arith.cmpi eq, %iota3A, %eq3A_242 : vector<16xi32>
          %jit3A_244 = arith.constant 0 : i32
          %broadcast_in_dim3A_245 = vector.broadcast %jit3A_244 : i32 to vector<16xi32>
          %select_n3A_246 = arith.select %eq3A_243, %get3A_241, %broadcast_in_dim3A_245 : vector<16xi1>, vector<16xi32>
          %reduce_sum3A_247 = arith.constant true
          %reduce_sum3A_248 = vector.broadcast %reduce_sum3A_247 : i1 to vector<16xi1>
          %reduce_sum3A_249 = tpu.scan <sum>, %select_n3A_246 masked %reduce_sum3A_248 : vector<16xi32>, vector<16xi1> -> vector<16xi32>
          %reduce_sum3A_250 = vector.extract %reduce_sum3A_249[15] : i32 from vector<16xi32>
          %sub3A_251 = arith.subi %reduce_sum3A_239, %add3A_212 : i32
          %broadcast_in_dim3A_252 = vector.broadcast %sub3A_251 : i32 to vector<16xi32>
          %broadcast_in_dim3A_253 = arith.constant 0 : i32
          %broadcast_in_dim3A_254 = vector.broadcast %broadcast_in_dim3A_253 : i32 to vector<16xi32>
          %add3A_255 = arith.constant 0 : i32
          %add3A_256 = vector.broadcast %add3A_255 : i32 to vector<16xi32>
          %add3A_257 = arith.addi %iota3A, %add3A_256 : vector<16xi32>
          %gather3A_258 = tpu.vector_load_idx %arg11[%broadcast_in_dim3A_254, %add3A_257, %broadcast_in_dim3A_252] : memref<2x64x512xf32, #tpu.memory_space<vmem>>[vector<16xi32>, vector<16xi32>, vector<16xi32>], vector<16xf32>,
          %add3A_259 = arith.constant 16 : i32
          %add3A_260 = vector.broadcast %add3A_259 : i32 to vector<16xi32>
          %add3A_261 = arith.addi %iota3A, %add3A_260 : vector<16xi32>
          %gather3A_262 = tpu.vector_load_idx %arg11[%broadcast_in_dim3A_254, %add3A_261, %broadcast_in_dim3A_252] : memref<2x64x512xf32, #tpu.memory_space<vmem>>[vector<16xi32>, vector<16xi32>, vector<16xi32>], vector<16xf32>,
          %add3A_263 = arith.constant 32 : i32
          %add3A_264 = vector.broadcast %add3A_263 : i32 to vector<16xi32>
          %add3A_265 = arith.addi %iota3A, %add3A_264 : vector<16xi32>
          %gather3A_266 = tpu.vector_load_idx %arg11[%broadcast_in_dim3A_254, %add3A_265, %broadcast_in_dim3A_252] : memref<2x64x512xf32, #tpu.memory_space<vmem>>[vector<16xi32>, vector<16xi32>, vector<16xi32>], vector<16xf32>,
          %add3A_267 = arith.constant 48 : i32
          %add3A_268 = vector.broadcast %add3A_267 : i32 to vector<16xi32>
          %add3A_269 = arith.addi %iota3A, %add3A_268 : vector<16xi32>
          %gather3A_270 = tpu.vector_load_idx %arg11[%broadcast_in_dim3A_254, %add3A_269, %broadcast_in_dim3A_252] : memref<2x64x512xf32, #tpu.memory_space<vmem>>[vector<16xi32>, vector<16xi32>, vector<16xi32>], vector<16xf32>,
          %exp3A = math.exp %gather3A_258 : vector<16xf32>
          %exp3A_271 = math.exp %gather3A_262 : vector<16xf32>
          %exp3A_272 = math.exp %gather3A_266 : vector<16xf32>
          %exp3A_273 = math.exp %gather3A_270 : vector<16xf32>
          %add3A_274 = arith.addf %exp3A, %exp3A_271 : vector<16xf32>
          %add3A_275 = arith.addf %exp3A_272, %exp3A_273 : vector<16xf32>
          %add3A_276 = arith.addf %add3A_274, %add3A_275 : vector<16xf32>
          %broadcast_in_dim3A_277 = arith.constant true
          %broadcast_in_dim3A_278 = vector.broadcast %broadcast_in_dim3A_277 : i1 to vector<16xi1>
          %masked_cumsum3A_279 = tpu.scan <sum>, %add3A_276 masked %broadcast_in_dim3A_278 : vector<16xf32>, vector<16xi1> -> vector<16xf32>
          %broadcast_in_dim3A_280 = arith.constant 15 : i32
          %broadcast_in_dim3A_281 = vector.broadcast %broadcast_in_dim3A_280 : i32 to vector<16x1xi32>
          %gather3A_282 = vector.shape_cast %broadcast_in_dim3A_281 : vector<16x1xi32> to vector<16xi32>
          %gather3A_283 = tpu.dynamic_gather %masked_cumsum3A_279[%gather3A_282] in [0] : vector<16xf32>, vector<16xi32> -> vector<16xf32>
          %div3A = arith.constant 1.000000e+00 : f32
          %div3A_284 = vector.broadcast %div3A : f32 to vector<16xf32>
          %div3A_285 = arith.divf %div3A_284, %gather3A_283 : vector<16xf32>
          %and3A_286 = arith.constant 1 : i32
          %and3A_287 = arith.andi %while3A_224, %and3A_286 : i32
          %mul3A_288 = arith.mulf %exp3A, %div3A_285 : vector<16xf32>
          %swap3A_289 = arith.index_cast %and3A_287 : i32 to index
          %swap3A_290 = arith.index_cast %while3A_223 : i32 to index
          %swap3A_291 = arith.constant 0 : index
          %swap3A_292 = tpu.vector_load %arg12[%swap3A_289, %swap3A_290, %swap3A_291] {strides = array<i32>} : memref<2x48x128xf32, #tpu.memory_space<vmem>>, vector<16xf32>,
          tpu.vector_store %arg12[%swap3A_289, %swap3A_290, %swap3A_291], %mul3A_288 {strides = array<i32>} : memref<2x48x128xf32, #tpu.memory_space<vmem>>, vector<16xf32>,
          %mul3A_293 = arith.mulf %exp3A_271, %div3A_285 : vector<16xf32>
          %swap3A_294 = arith.index_cast %and3A_287 : i32 to index
          %swap3A_295 = arith.index_cast %while3A_223 : i32 to index
          %swap3A_296 = arith.constant 16 : index
          %swap3A_297 = tpu.vector_load %arg12[%swap3A_294, %swap3A_295, %swap3A_296] {strides = array<i32>} : memref<2x48x128xf32, #tpu.memory_space<vmem>>, vector<16xf32>,
          tpu.vector_store %arg12[%swap3A_294, %swap3A_295, %swap3A_296], %mul3A_293 {strides = array<i32>} : memref<2x48x128xf32, #tpu.memory_space<vmem>>, vector<16xf32>,
          %mul3A_298 = arith.mulf %exp3A_272, %div3A_285 : vector<16xf32>
          %swap3A_299 = arith.index_cast %and3A_287 : i32 to index
          %swap3A_300 = arith.index_cast %while3A_223 : i32 to index
          %swap3A_301 = arith.constant 32 : index
          %swap3A_302 = tpu.vector_load %arg12[%swap3A_299, %swap3A_300, %swap3A_301] {strides = array<i32>} : memref<2x48x128xf32, #tpu.memory_space<vmem>>, vector<16xf32>,
          tpu.vector_store %arg12[%swap3A_299, %swap3A_300, %swap3A_301], %mul3A_298 {strides = array<i32>} : memref<2x48x128xf32, #tpu.memory_space<vmem>>, vector<16xf32>,
          %mul3A_303 = arith.mulf %exp3A_273, %div3A_285 : vector<16xf32>
          %swap3A_304 = arith.index_cast %and3A_287 : i32 to index
          %swap3A_305 = arith.index_cast %while3A_223 : i32 to index
          %swap3A_306 = arith.constant 48 : index
          %swap3A_307 = tpu.vector_load %arg12[%swap3A_304, %swap3A_305, %swap3A_306] {strides = array<i32>} : memref<2x48x128xf32, #tpu.memory_space<vmem>>, vector<16xf32>,
          tpu.vector_store %arg12[%swap3A_304, %swap3A_305, %swap3A_306], %mul3A_303 {strides = array<i32>} : memref<2x48x128xf32, #tpu.memory_space<vmem>>, vector<16xf32>,
          %broadcast_in_dim3A_308 = vector.broadcast %reduce_sum3A_250 : i32 to vector<16xi32>
          %broadcast_in_dim3A_309 = vector.broadcast %while3A_223 : i32 to vector<16xi32>
          %eq3A_310 = arith.constant 0 : i32
          %eq3A_311 = arith.cmpi eq, %and3A_287, %eq3A_310 : i32
          %convert_element_type3A_312 = arith.extui %eq3A_311 : i1 to i32
          %cond3A_313 = arith.constant 0 : i32
          %cond3A_314 = arith.cmpi ne, %convert_element_type3A_312, %cond3A_313 : i32
          scf.if %cond3A_314 {
            %eq3A_330 = arith.constant 0 : i32
            %eq3A_331 = vector.broadcast %eq3A_330 : i32 to vector<16xi32>
            %eq3A_332 = arith.cmpi eq, %iota3A, %eq3A_331 : vector<16xi32>
            tpu.vector_store_idx %arg13[%broadcast_in_dim3A_309], %broadcast_in_dim3A_308 masked %eq3A_332 : memref<48xi32, #tpu.memory_space<vmem>>[vector<16xi32>], vector<16xi32>, vector<16xi1>
          } else {
          }
          %eq3A_315 = arith.constant 1 : i32
          %eq3A_316 = arith.cmpi eq, %and3A_287, %eq3A_315 : i32
          %convert_element_type3A_317 = arith.extui %eq3A_316 : i1 to i32
          %cond3A_318 = arith.constant 0 : i32
          %cond3A_319 = arith.cmpi ne, %convert_element_type3A_317, %cond3A_318 : i32
          scf.if %cond3A_319 {
            %eq3A_330 = arith.constant 0 : i32
            %eq3A_331 = vector.broadcast %eq3A_330 : i32 to vector<16xi32>
            %eq3A_332 = arith.cmpi eq, %iota3A, %eq3A_331 : vector<16xi32>
            tpu.vector_store_idx %arg14[%broadcast_in_dim3A_309], %broadcast_in_dim3A_308 masked %eq3A_332 : memref<48xi32, #tpu.memory_space<vmem>>[vector<16xi32>], vector<16xi32>, vector<16xi1>
          } else {
          }
          %eq3A_320 = arith.constant 47 : i32
          %eq3A_321 = arith.cmpi eq, %while3A_223, %eq3A_320 : i32
          %convert_element_type3A_322 = arith.extui %eq3A_321 : i1 to i32
          %cond3A_323 = arith.constant 0 : i32
          %cond3A_324 = arith.cmpi ne, %convert_element_type3A_322, %cond3A_323 : i32
          %cond3A_325 = scf.if %cond3A_324 -> (i32) {
            %and3A_330 = arith.constant 1 : i32
            %and3A_331 = arith.andi %while3A_224, %and3A_330 : i32
            %eq3A_332 = arith.constant 0 : i32
            %eq3A_333 = arith.cmpi eq, %and3A_331, %eq3A_332 : i32
            %convert_element_type3A_334 = arith.extui %eq3A_333 : i1 to i32
            %cond3A_335 = arith.constant 0 : i32
            %cond3A_336 = arith.cmpi ne, %convert_element_type3A_334, %cond3A_335 : i32
            scf.if %cond3A_336 {
              %add3A_351 = arith.constant 0 : i32
              %add3A_352 = vector.broadcast %add3A_351 : i32 to vector<16xi32>
              %add3A_353 = arith.addi %iota3A, %add3A_352 : vector<16xi32>
              %get3A_354 = arith.constant 0 : index
              %get3A_355 = tpu.vector_load %arg13[%get3A_354] {strides = array<i32>} : memref<48xi32, #tpu.memory_space<vmem>>, vector<16xi32>,
              %lt3A_356 = arith.constant 48 : i32
              %lt3A_357 = vector.broadcast %lt3A_356 : i32 to vector<16xi32>
              %lt3A_358 = arith.cmpi slt, %add3A_353, %lt3A_357 : vector<16xi32>
              %select_n3A_359 = arith.select %lt3A_358, %get3A_355, %add3A_105 : vector<16xi1>, vector<16xi32>
              %swap3A_360 = arith.constant 0 : index
              %swap3A_361 = tpu.vector_load %arg13[%swap3A_360] {strides = array<i32>} : memref<48xi32, #tpu.memory_space<vmem>>, vector<16xi32>,
              tpu.vector_store %arg13[%swap3A_360], %select_n3A_359 {strides = array<i32>} : memref<48xi32, #tpu.memory_space<vmem>>, vector<16xi32>,
              %add3A_362 = arith.constant 16 : i32
              %add3A_363 = vector.broadcast %add3A_362 : i32 to vector<16xi32>
              %add3A_364 = arith.addi %iota3A, %add3A_363 : vector<16xi32>
              %get3A_365 = arith.constant 16 : index
              %get3A_366 = tpu.vector_load %arg13[%get3A_365] {strides = array<i32>} : memref<48xi32, #tpu.memory_space<vmem>>, vector<16xi32>,
              %lt3A_367 = arith.constant 48 : i32
              %lt3A_368 = vector.broadcast %lt3A_367 : i32 to vector<16xi32>
              %lt3A_369 = arith.cmpi slt, %add3A_364, %lt3A_368 : vector<16xi32>
              %select_n3A_370 = arith.select %lt3A_369, %get3A_366, %add3A_105 : vector<16xi1>, vector<16xi32>
              %swap3A_371 = arith.constant 16 : index
              %swap3A_372 = tpu.vector_load %arg13[%swap3A_371] {strides = array<i32>} : memref<48xi32, #tpu.memory_space<vmem>>, vector<16xi32>,
              tpu.vector_store %arg13[%swap3A_371], %select_n3A_370 {strides = array<i32>} : memref<48xi32, #tpu.memory_space<vmem>>, vector<16xi32>,
              %add3A_373 = arith.constant 32 : i32
              %add3A_374 = vector.broadcast %add3A_373 : i32 to vector<16xi32>
              %add3A_375 = arith.addi %iota3A, %add3A_374 : vector<16xi32>
              %get3A_376 = arith.constant 32 : index
              %get3A_377 = tpu.vector_load %arg13[%get3A_376] {strides = array<i32>} : memref<48xi32, #tpu.memory_space<vmem>>, vector<16xi32>,
              %lt3A_378 = arith.constant 48 : i32
              %lt3A_379 = vector.broadcast %lt3A_378 : i32 to vector<16xi32>
              %lt3A_380 = arith.cmpi slt, %add3A_375, %lt3A_379 : vector<16xi32>
              %select_n3A_381 = arith.select %lt3A_380, %get3A_377, %add3A_105 : vector<16xi1>, vector<16xi32>
              %swap3A_382 = arith.constant 32 : index
              %swap3A_383 = tpu.vector_load %arg13[%swap3A_382] {strides = array<i32>} : memref<48xi32, #tpu.memory_space<vmem>>, vector<16xi32>,
              tpu.vector_store %arg13[%swap3A_382], %select_n3A_381 {strides = array<i32>} : memref<48xi32, #tpu.memory_space<vmem>>, vector<16xi32>,
              %dma_start3A = arith.constant 0 : i32
              %dma_start3A_384 = arith.constant 0 : i32
              %dma_start3A_385 = arith.constant 0 : i32
              %dma_start3A_386 = tpu.memref_slice %arg12[%dma_start3A, %dma_start3A_384, %dma_start3A_385] : memref<2x48x128xf32, #tpu.memory_space<vmem>> -> memref<1x48x128xf32, #tpu.memory_space<vmem>>
              %dma_start3A_387 = tpu.memref_squeeze %dma_start3A_386 : memref<1x48x128xf32, #tpu.memory_space<vmem>> -> memref<48x128xf32, #tpu.memory_space<vmem>>
              %dma_start3A_388 = arith.constant 0 : i32
              %dma_start3A_389 = arith.constant 0 : i32
              %dma_start3A_390 = tpu.memref_slice %arg4[%dma_start3A_388, %dma_start3A_389] : memref<16416x128xf32, #tpu.memory_space<hbm>> -> memref<16416x128xf32, #tpu.memory_space<hbm>>
              tpu.enqueue_indirect_dma source(%dma_start3A_387 : memref<48x128xf32, #tpu.memory_space<vmem>>) target(%dma_start3A_390 : memref<16416x128xf32, #tpu.memory_space<hbm>>) offsets(%arg13 : memref<48xi32, #tpu.memory_space<vmem>>) semaphore(%arg17 : memref<!tpu.dma_semaphore, #tpu.memory_space<semaphore_mem>>)
            } else {
            }
            %and3A_337 = arith.constant 1 : i32
            %and3A_338 = arith.andi %while3A_224, %and3A_337 : i32
            %eq3A_339 = arith.constant 1 : i32
            %eq3A_340 = arith.cmpi eq, %and3A_338, %eq3A_339 : i32
            %convert_element_type3A_341 = arith.extui %eq3A_340 : i1 to i32
            %cond3A_342 = arith.constant 0 : i32
            %cond3A_343 = arith.cmpi ne, %convert_element_type3A_341, %cond3A_342 : i32
            scf.if %cond3A_343 {
              %add3A_351 = arith.constant 0 : i32
              %add3A_352 = vector.broadcast %add3A_351 : i32 to vector<16xi32>
              %add3A_353 = arith.addi %iota3A, %add3A_352 : vector<16xi32>
              %get3A_354 = arith.constant 0 : index
              %get3A_355 = tpu.vector_load %arg14[%get3A_354] {strides = array<i32>} : memref<48xi32, #tpu.memory_space<vmem>>, vector<16xi32>,
              %lt3A_356 = arith.constant 48 : i32
              %lt3A_357 = vector.broadcast %lt3A_356 : i32 to vector<16xi32>
              %lt3A_358 = arith.cmpi slt, %add3A_353, %lt3A_357 : vector<16xi32>
              %select_n3A_359 = arith.select %lt3A_358, %get3A_355, %add3A_105 : vector<16xi1>, vector<16xi32>
              %swap3A_360 = arith.constant 0 : index
              %swap3A_361 = tpu.vector_load %arg14[%swap3A_360] {strides = array<i32>} : memref<48xi32, #tpu.memory_space<vmem>>, vector<16xi32>,
              tpu.vector_store %arg14[%swap3A_360], %select_n3A_359 {strides = array<i32>} : memref<48xi32, #tpu.memory_space<vmem>>, vector<16xi32>,
              %add3A_362 = arith.constant 16 : i32
              %add3A_363 = vector.broadcast %add3A_362 : i32 to vector<16xi32>
              %add3A_364 = arith.addi %iota3A, %add3A_363 : vector<16xi32>
              %get3A_365 = arith.constant 16 : index
              %get3A_366 = tpu.vector_load %arg14[%get3A_365] {strides = array<i32>} : memref<48xi32, #tpu.memory_space<vmem>>, vector<16xi32>,
              %lt3A_367 = arith.constant 48 : i32
              %lt3A_368 = vector.broadcast %lt3A_367 : i32 to vector<16xi32>
              %lt3A_369 = arith.cmpi slt, %add3A_364, %lt3A_368 : vector<16xi32>
              %select_n3A_370 = arith.select %lt3A_369, %get3A_366, %add3A_105 : vector<16xi1>, vector<16xi32>
              %swap3A_371 = arith.constant 16 : index
              %swap3A_372 = tpu.vector_load %arg14[%swap3A_371] {strides = array<i32>} : memref<48xi32, #tpu.memory_space<vmem>>, vector<16xi32>,
              tpu.vector_store %arg14[%swap3A_371], %select_n3A_370 {strides = array<i32>} : memref<48xi32, #tpu.memory_space<vmem>>, vector<16xi32>,
              %add3A_373 = arith.constant 32 : i32
              %add3A_374 = vector.broadcast %add3A_373 : i32 to vector<16xi32>
              %add3A_375 = arith.addi %iota3A, %add3A_374 : vector<16xi32>
              %get3A_376 = arith.constant 32 : index
              %get3A_377 = tpu.vector_load %arg14[%get3A_376] {strides = array<i32>} : memref<48xi32, #tpu.memory_space<vmem>>, vector<16xi32>,
              %lt3A_378 = arith.constant 48 : i32
              %lt3A_379 = vector.broadcast %lt3A_378 : i32 to vector<16xi32>
              %lt3A_380 = arith.cmpi slt, %add3A_375, %lt3A_379 : vector<16xi32>
              %select_n3A_381 = arith.select %lt3A_380, %get3A_377, %add3A_105 : vector<16xi1>, vector<16xi32>
              %swap3A_382 = arith.constant 32 : index
              %swap3A_383 = tpu.vector_load %arg14[%swap3A_382] {strides = array<i32>} : memref<48xi32, #tpu.memory_space<vmem>>, vector<16xi32>,
              tpu.vector_store %arg14[%swap3A_382], %select_n3A_381 {strides = array<i32>} : memref<48xi32, #tpu.memory_space<vmem>>, vector<16xi32>,
              %dma_start3A = arith.constant 1 : i32
              %dma_start3A_384 = arith.constant 0 : i32
              %dma_start3A_385 = arith.constant 0 : i32
              %dma_start3A_386 = tpu.memref_slice %arg12[%dma_start3A, %dma_start3A_384, %dma_start3A_385] : memref<2x48x128xf32, #tpu.memory_space<vmem>> -> memref<1x48x128xf32, #tpu.memory_space<vmem>>
              %dma_start3A_387 = tpu.memref_squeeze %dma_start3A_386 : memref<1x48x128xf32, #tpu.memory_space<vmem>> -> memref<48x128xf32, #tpu.memory_space<vmem>>
              %dma_start3A_388 = arith.constant 0 : i32
              %dma_start3A_389 = arith.constant 0 : i32
              %dma_start3A_390 = tpu.memref_slice %arg4[%dma_start3A_388, %dma_start3A_389] : memref<16416x128xf32, #tpu.memory_space<hbm>> -> memref<16416x128xf32, #tpu.memory_space<hbm>>
              tpu.enqueue_indirect_dma source(%dma_start3A_387 : memref<48x128xf32, #tpu.memory_space<vmem>>) target(%dma_start3A_390 : memref<16416x128xf32, #tpu.memory_space<hbm>>) offsets(%arg14 : memref<48xi32, #tpu.memory_space<vmem>>) semaphore(%arg17 : memref<!tpu.dma_semaphore, #tpu.memory_space<semaphore_mem>>)
            } else {
            }
            %gt3A_344 = arith.constant 0 : i32
            %gt3A_345 = arith.cmpi sgt, %while3A_224, %gt3A_344 : i32
            %convert_element_type3A_346 = arith.extui %gt3A_345 : i1 to i32
            %cond3A_347 = arith.constant 0 : i32
            %cond3A_348 = arith.cmpi ne, %convert_element_type3A_346, %cond3A_347 : i32
            scf.if %cond3A_348 {
              %dma_wait3A_351 = arith.constant 0 : i32
              %dma_wait3A_352 = arith.constant 0 : i32
              %dma_wait3A_353 = arith.constant 0 : i32
              %dma_wait3A_354 = tpu.memref_slice %arg12[%dma_wait3A_351, %dma_wait3A_352, %dma_wait3A_353] : memref<2x48x128xf32, #tpu.memory_space<vmem>> -> memref<1x48x128xf32, #tpu.memory_space<vmem>>
              %dma_wait3A_355 = tpu.memref_squeeze %dma_wait3A_354 : memref<1x48x128xf32, #tpu.memory_space<vmem>> -> memref<48x128xf32, #tpu.memory_space<vmem>>
              %dma_wait3A_356 = arith.constant 0 : i32
              %dma_wait3A_357 = arith.constant 0 : i32
              %dma_wait3A_358 = tpu.memref_slice %arg2[%dma_wait3A_356, %dma_wait3A_357] : memref<64x1000000xf32, #tpu.memory_space<hbm>> -> memref<48x128xf32, #tpu.memory_space<hbm>>
              %dma_wait3A_359 = arith.constant 0 : i32
              %dma_wait3A_360 = arith.constant 0 : i32
              %dma_wait3A_361 = tpu.memref_slice %arg12[%dma_wait3A_351, %dma_wait3A_359, %dma_wait3A_360] : memref<2x48x128xf32, #tpu.memory_space<vmem>> -> memref<1x48x128xf32, #tpu.memory_space<vmem>>
              %dma_wait3A_362 = tpu.memref_squeeze %dma_wait3A_361 : memref<1x48x128xf32, #tpu.memory_space<vmem>> -> memref<48x128xf32, #tpu.memory_space<vmem>>
              %dma_wait3A_363 = arith.constant 0 : i32
              %dma_wait3A_364 = arith.constant 0 : i32
              %dma_wait3A_365 = tpu.memref_slice %arg2[%dma_wait3A_363, %dma_wait3A_364] : memref<64x1000000xf32, #tpu.memory_space<hbm>> -> memref<48x128xf32, #tpu.memory_space<hbm>>
              tpu.wait_dma2 semaphore(%arg17 : memref<!tpu.dma_semaphore, #tpu.memory_space<semaphore_mem>>) src(%dma_wait3A_365 : memref<48x128xf32, #tpu.memory_space<hbm>>) dst(%dma_wait3A_362 : memref<48x128xf32, #tpu.memory_space<vmem>>)
            } else {
            }
            %add3A_349 = arith.constant 1 : i32
            %add3A_350 = arith.addi %while3A_224, %add3A_349 : i32
            scf.yield %add3A_350 : i32
          } else {
            scf.yield %while3A_224 : i32
          }
          %add3A_326 = arith.constant 1 : i32
          %add3A_327 = arith.addi %while3A_223, %add3A_326 : i32
          %jit3A_328 = arith.constant 0 : i32
          %select_n3A_329 = arith.select %eq3A_321, %jit3A_328, %add3A_327 : i32
          scf.yield %select_n3A_329, %cond3A_325 : i32, i32
        }
        scf.yield %while3A_221#0, %while3A_221#1 : i32, i32
      } else {
        scf.yield %scan3A_153, %scan3A_154 : i32, i32
      }
      %mul3A_163 = arith.constant 2 : i32
      %mul3A_164 = arith.muli %mul3A_163, %scan3A_152 : i32
      %add3A_165 = arith.constant 1 : i32
      %add3A_166 = arith.addi %mul3A_164, %add3A_165 : i32
      %lt3A_167 = arith.cmpi slt, %add3A_166, %select_n3A_10 : i32
      %convert_element_type3A_168 = arith.extui %lt3A_167 : i1 to i32
      %cond3A_169 = arith.constant 0 : i32
      %cond3A_170 = arith.cmpi ne, %convert_element_type3A_168, %cond3A_169 : i32
      %cond3A_171:2 = scf.if %cond3A_170 -> (i32, i32) {
        %add3A_172 = arith.constant 1 : i32
        %add3A_173 = arith.addi %add3A_166, %add3A_172 : i32
        %lt3A_174 = arith.cmpi slt, %add3A_173, %select_n3A_10 : i32
        %convert_element_type3A_175 = arith.extui %lt3A_174 : i1 to i32
        %cond3A_176 = arith.constant 0 : i32
        %cond3A_177 = arith.cmpi ne, %convert_element_type3A_175, %cond3A_176 : i32
        scf.if %cond3A_177 {
          %add3A_222 = arith.constant 1 : i32
          %add3A_223 = arith.addi %add3A_166, %add3A_222 : i32
          %mul3A_224 = arith.constant 512 : i32
          %mul3A_225 = arith.muli %add3A_223, %mul3A_224 : i32
          %add3A_226 = arith.addi %mul3A_2, %mul3A_225 : i32
          %multiple_of3A_227 = tpu.assume_multiple %add3A_226, 128 : i32
          %eq3A_228 = arith.constant 62 : i32
          %eq3A_229 = arith.cmpi eq, %add3A_223, %eq3A_228 : i32
          %not3A_230 = arith.constant true
          %not3A_231 = arith.xori %eq3A_229, %not3A_230 : i1
          %convert_element_type3A_232 = arith.extui %not3A_231 : i1 to i32
          %cond3A_233 = arith.constant 0 : i32
          %cond3A_234 = arith.cmpi ne, %convert_element_type3A_232, %cond3A_233 : i32
          scf.if %cond3A_234 {
            %dma_start3A = arith.constant 0 : i32
            %dma_start3A_238 = arith.constant 0 : i32
            %dma_start3A_239 = arith.constant 0 : i32
            %dma_start3A_240 = tpu.memref_slice %arg11[%dma_start3A, %dma_start3A_238, %dma_start3A_239] : memref<2x64x512xf32, #tpu.memory_space<vmem>> -> memref<1x64x512xf32, #tpu.memory_space<vmem>>
            %dma_start3A_241 = tpu.memref_squeeze %dma_start3A_240 : memref<1x64x512xf32, #tpu.memory_space<vmem>> -> memref<64x512xf32, #tpu.memory_space<vmem>>
            %dma_start3A_242 = arith.constant 0 : i32
            %dma_start3A_243 = tpu.memref_slice %arg2[%dma_start3A_242, %multiple_of3A_227] : memref<64x1000000xf32, #tpu.memory_space<hbm>> -> memref<64x512xf32, #tpu.memory_space<hbm>>
            %dma_start3A_244 = arith.constant 0 : i32
            %dma_start3A_245 = arith.constant 0 : i32
            %dma_start3A_246 = tpu.memref_slice %arg11[%dma_start3A, %dma_start3A_244, %dma_start3A_245] : memref<2x64x512xf32, #tpu.memory_space<vmem>> -> memref<1x64x512xf32, #tpu.memory_space<vmem>>
            %dma_start3A_247 = tpu.memref_squeeze %dma_start3A_246 : memref<1x64x512xf32, #tpu.memory_space<vmem>> -> memref<64x512xf32, #tpu.memory_space<vmem>>
            %dma_start3A_248 = arith.constant 0 : i32
            %dma_start3A_249 = tpu.memref_slice %arg2[%dma_start3A_248, %multiple_of3A_227] : memref<64x1000000xf32, #tpu.memory_space<hbm>> -> memref<64x512xf32, #tpu.memory_space<hbm>>
            tpu.enqueue_dma source(%dma_start3A_249 : memref<64x512xf32, #tpu.memory_space<hbm>>) target(%dma_start3A_247 : memref<64x512xf32, #tpu.memory_space<vmem>>) target_semaphore(%arg15 : memref<!tpu.dma_semaphore, #tpu.memory_space<semaphore_mem>>)
          } else {
          }
          %convert_element_type3A_235 = arith.extui %eq3A_229 : i1 to i32
          %cond3A_236 = arith.constant 0 : i32
          %cond3A_237 = arith.cmpi ne, %convert_element_type3A_235, %cond3A_236 : i32
          scf.if %cond3A_237 {
            %dma_start3A = arith.constant 0 : i32
            %dma_start3A_238 = arith.constant 0 : i32
            %dma_start3A_239 = arith.constant 0 : i32
            %dma_start3A_240 = tpu.memref_slice %arg11[%dma_start3A, %dma_start3A_238, %dma_start3A_239] : memref<2x64x512xf32, #tpu.memory_space<vmem>> -> memref<1x64x128xf32, #tpu.memory_space<vmem>>
            %dma_start3A_241 = tpu.memref_squeeze %dma_start3A_240 : memref<1x64x128xf32, #tpu.memory_space<vmem>> -> memref<64x128xf32, #tpu.memory_space<vmem>>
            %dma_start3A_242 = arith.constant 0 : i32
            %dma_start3A_243 = tpu.memref_slice %arg2[%dma_start3A_242, %multiple_of3A_227] : memref<64x1000000xf32, #tpu.memory_space<hbm>> -> memref<64x128xf32, #tpu.memory_space<hbm>>
            %dma_start3A_244 = arith.constant 0 : i32
            %dma_start3A_245 = arith.constant 0 : i32
            %dma_start3A_246 = tpu.memref_slice %arg11[%dma_start3A, %dma_start3A_244, %dma_start3A_245] : memref<2x64x512xf32, #tpu.memory_space<vmem>> -> memref<1x64x128xf32, #tpu.memory_space<vmem>>
            %dma_start3A_247 = tpu.memref_squeeze %dma_start3A_246 : memref<1x64x128xf32, #tpu.memory_space<vmem>> -> memref<64x128xf32, #tpu.memory_space<vmem>>
            %dma_start3A_248 = arith.constant 0 : i32
            %dma_start3A_249 = tpu.memref_slice %arg2[%dma_start3A_248, %multiple_of3A_227] : memref<64x1000000xf32, #tpu.memory_space<hbm>> -> memref<64x128xf32, #tpu.memory_space<hbm>>
            tpu.enqueue_dma source(%dma_start3A_249 : memref<64x128xf32, #tpu.memory_space<hbm>>) target(%dma_start3A_247 : memref<64x128xf32, #tpu.memory_space<vmem>>) target_semaphore(%arg15 : memref<!tpu.dma_semaphore, #tpu.memory_space<semaphore_mem>>)
          } else {
          }
        } else {
        }
        %eq3A_178 = arith.constant 62 : i32
        %eq3A_179 = arith.cmpi eq, %add3A_166, %eq3A_178 : i32
        %not3A_180 = arith.constant true
        %not3A_181 = arith.xori %eq3A_179, %not3A_180 : i1
        %convert_element_type3A_182 = arith.extui %not3A_181 : i1 to i32
        %cond3A_183 = arith.constant 0 : i32
        %cond3A_184 = arith.cmpi ne, %convert_element_type3A_182, %cond3A_183 : i32
        scf.if %cond3A_184 {
          %dma_wait3A_222 = arith.constant 1 : i32
          %dma_wait3A_223 = arith.constant 0 : i32
          %dma_wait3A_224 = arith.constant 0 : i32
          %dma_wait3A_225 = tpu.memref_slice %arg11[%dma_wait3A_222, %dma_wait3A_223, %dma_wait3A_224] : memref<2x64x512xf32, #tpu.memory_space<vmem>> -> memref<1x64x512xf32, #tpu.memory_space<vmem>>
          %dma_wait3A_226 = tpu.memref_squeeze %dma_wait3A_225 : memref<1x64x512xf32, #tpu.memory_space<vmem>> -> memref<64x512xf32, #tpu.memory_space<vmem>>
          %dma_wait3A_227 = arith.constant 0 : i32
          %dma_wait3A_228 = arith.constant 0 : i32
          %dma_wait3A_229 = tpu.memref_slice %arg2[%dma_wait3A_227, %dma_wait3A_228] : memref<64x1000000xf32, #tpu.memory_space<hbm>> -> memref<64x512xf32, #tpu.memory_space<hbm>>
          %dma_wait3A_230 = arith.constant 0 : i32
          %dma_wait3A_231 = arith.constant 0 : i32
          %dma_wait3A_232 = tpu.memref_slice %arg11[%dma_wait3A_222, %dma_wait3A_230, %dma_wait3A_231] : memref<2x64x512xf32, #tpu.memory_space<vmem>> -> memref<1x64x512xf32, #tpu.memory_space<vmem>>
          %dma_wait3A_233 = tpu.memref_squeeze %dma_wait3A_232 : memref<1x64x512xf32, #tpu.memory_space<vmem>> -> memref<64x512xf32, #tpu.memory_space<vmem>>
          %dma_wait3A_234 = arith.constant 0 : i32
          %dma_wait3A_235 = arith.constant 0 : i32
          %dma_wait3A_236 = tpu.memref_slice %arg2[%dma_wait3A_234, %dma_wait3A_235] : memref<64x1000000xf32, #tpu.memory_space<hbm>> -> memref<64x512xf32, #tpu.memory_space<hbm>>
          tpu.wait_dma2 semaphore(%arg16 : memref<!tpu.dma_semaphore, #tpu.memory_space<semaphore_mem>>) src(%dma_wait3A_236 : memref<64x512xf32, #tpu.memory_space<hbm>>) dst(%dma_wait3A_233 : memref<64x512xf32, #tpu.memory_space<vmem>>)
        } else {
        }
        %convert_element_type3A_185 = arith.extui %eq3A_179 : i1 to i32
        %cond3A_186 = arith.constant 0 : i32
        %cond3A_187 = arith.cmpi ne, %convert_element_type3A_185, %cond3A_186 : i32
        scf.if %cond3A_187 {
          %dma_wait3A_222 = arith.constant 1 : i32
          %dma_wait3A_223 = arith.constant 0 : i32
          %dma_wait3A_224 = arith.constant 0 : i32
          %dma_wait3A_225 = tpu.memref_slice %arg11[%dma_wait3A_222, %dma_wait3A_223, %dma_wait3A_224] : memref<2x64x512xf32, #tpu.memory_space<vmem>> -> memref<1x64x128xf32, #tpu.memory_space<vmem>>
          %dma_wait3A_226 = tpu.memref_squeeze %dma_wait3A_225 : memref<1x64x128xf32, #tpu.memory_space<vmem>> -> memref<64x128xf32, #tpu.memory_space<vmem>>
          %dma_wait3A_227 = arith.constant 0 : i32
          %dma_wait3A_228 = arith.constant 0 : i32
          %dma_wait3A_229 = tpu.memref_slice %arg2[%dma_wait3A_227, %dma_wait3A_228] : memref<64x1000000xf32, #tpu.memory_space<hbm>> -> memref<64x128xf32, #tpu.memory_space<hbm>>
          %dma_wait3A_230 = arith.constant 0 : i32
          %dma_wait3A_231 = arith.constant 0 : i32
          %dma_wait3A_232 = tpu.memref_slice %arg11[%dma_wait3A_222, %dma_wait3A_230, %dma_wait3A_231] : memref<2x64x512xf32, #tpu.memory_space<vmem>> -> memref<1x64x128xf32, #tpu.memory_space<vmem>>
          %dma_wait3A_233 = tpu.memref_squeeze %dma_wait3A_232 : memref<1x64x128xf32, #tpu.memory_space<vmem>> -> memref<64x128xf32, #tpu.memory_space<vmem>>
          %dma_wait3A_234 = arith.constant 0 : i32
          %dma_wait3A_235 = arith.constant 0 : i32
          %dma_wait3A_236 = tpu.memref_slice %arg2[%dma_wait3A_234, %dma_wait3A_235] : memref<64x1000000xf32, #tpu.memory_space<hbm>> -> memref<64x128xf32, #tpu.memory_space<hbm>>
          tpu.wait_dma2 semaphore(%arg16 : memref<!tpu.dma_semaphore, #tpu.memory_space<semaphore_mem>>) src(%dma_wait3A_236 : memref<64x128xf32, #tpu.memory_space<hbm>>) dst(%dma_wait3A_233 : memref<64x128xf32, #tpu.memory_space<vmem>>)
        } else {
        }
        %broadcast_in_dim3A_188 = vector.broadcast %add3A_166 : i32 to vector<16xi32>
        %gather3A_189 = tpu.vector_load_idx %arg9[%broadcast_in_dim3A_188] : memref<64xi32, #tpu.memory_space<vmem>>[vector<16xi32>], vector<16xi32>,
        %eq3A_190 = arith.constant 0 : i32
        %eq3A_191 = vector.broadcast %eq3A_190 : i32 to vector<16xi32>
        %eq3A_192 = arith.cmpi eq, %iota3A, %eq3A_191 : vector<16xi32>
        %jit3A_193 = arith.constant 0 : i32
        %broadcast_in_dim3A_194 = vector.broadcast %jit3A_193 : i32 to vector<16xi32>
        %select_n3A_195 = arith.select %eq3A_192, %gather3A_189, %broadcast_in_dim3A_194 : vector<16xi1>, vector<16xi32>
        %reduce_sum3A = arith.constant true
        %reduce_sum3A_196 = vector.broadcast %reduce_sum3A : i1 to vector<16xi1>
        %reduce_sum3A_197 = tpu.scan <sum>, %select_n3A_195 masked %reduce_sum3A_196 : vector<16xi32>, vector<16xi1> -> vector<16xi32>
        %reduce_sum3A_198 = vector.extract %reduce_sum3A_197[15] : i32 from vector<16xi32>
        %gather3A_199 = tpu.vector_load_idx %arg10[%broadcast_in_dim3A_188] : memref<64xi32, #tpu.memory_space<vmem>>[vector<16xi32>], vector<16xi32>,
        %eq3A_200 = arith.constant 0 : i32
        %eq3A_201 = vector.broadcast %eq3A_200 : i32 to vector<16xi32>
        %eq3A_202 = arith.cmpi eq, %iota3A, %eq3A_201 : vector<16xi32>
        %jit3A_203 = arith.constant 0 : i32
        %broadcast_in_dim3A_204 = vector.broadcast %jit3A_203 : i32 to vector<16xi32>
        %select_n3A_205 = arith.select %eq3A_202, %gather3A_199, %broadcast_in_dim3A_204 : vector<16xi1>, vector<16xi32>
        %reduce_sum3A_206 = arith.constant true
        %reduce_sum3A_207 = vector.broadcast %reduce_sum3A_206 : i1 to vector<16xi1>
        %reduce_sum3A_208 = tpu.scan <sum>, %select_n3A_205 masked %reduce_sum3A_207 : vector<16xi32>, vector<16xi1> -> vector<16xi32>
        %reduce_sum3A_209 = vector.extract %reduce_sum3A_208[15] : i32 from vector<16xi32>
        %mul3A_210 = arith.constant 512 : i32
        %mul3A_211 = arith.muli %add3A_166, %mul3A_210 : i32
        %add3A_212 = arith.addi %mul3A_2, %mul3A_211 : i32
        %while3A = arith.subi %reduce_sum3A_209, %reduce_sum3A_198 : i32
        %while3A_213 = arith.addi %reduce_sum3A_198, %while3A : i32
        %while3A_214 = arith.constant 1 : i32
        %while3A_215 = arith.divsi %while3A, %while3A_214 : i32
        %while3A_216 = arith.muli %while3A_215, %while3A_214 : i32
        %while3A_217 = arith.addi %reduce_sum3A_198, %while3A_216 : i32
        %while3A_218 = arith.constant 1 : i32
        %while3A_219:2 = scf.for %while3A_222 = %reduce_sum3A_198 to %while3A_217 step %while3A_218 iter_args(%while3A_223 = %cond3A_162#0, %while3A_224 = %cond3A_162#1) -> (i32, i32)  : i32 {
          %and3A_225 = arith.constant -16 : i32
          %and3A_226 = arith.andi %while3A_222, %and3A_225 : i32
          %and3A_227 = arith.constant 15 : i32
          %and3A_228 = arith.andi %while3A_222, %and3A_227 : i32
          %get3A_229 = arith.index_cast %and3A_226 : i32 to index
          %get3A_230 = tpu.vector_load %arg6[%get3A_229] {strides = array<i32>} : memref<16400xi32, #tpu.memory_space<vmem>>, vector<16xi32>,
          %eq3A_231 = vector.broadcast %and3A_228 : i32 to vector<16xi32>
          %eq3A_232 = arith.cmpi eq, %iota3A, %eq3A_231 : vector<16xi32>
          %jit3A_233 = arith.constant 0 : i32
          %broadcast_in_dim3A_234 = vector.broadcast %jit3A_233 : i32 to vector<16xi32>
          %select_n3A_235 = arith.select %eq3A_232, %get3A_230, %broadcast_in_dim3A_234 : vector<16xi1>, vector<16xi32>
          %reduce_sum3A_236 = arith.constant true
          %reduce_sum3A_237 = vector.broadcast %reduce_sum3A_236 : i1 to vector<16xi1>
          %reduce_sum3A_238 = tpu.scan <sum>, %select_n3A_235 masked %reduce_sum3A_237 : vector<16xi32>, vector<16xi1> -> vector<16xi32>
          %reduce_sum3A_239 = vector.extract %reduce_sum3A_238[15] : i32 from vector<16xi32>
          %get3A_240 = arith.index_cast %and3A_226 : i32 to index
          %get3A_241 = tpu.vector_load %arg7[%get3A_240] {strides = array<i32>} : memref<16400xi32, #tpu.memory_space<vmem>>, vector<16xi32>,
          %eq3A_242 = vector.broadcast %and3A_228 : i32 to vector<16xi32>
          %eq3A_243 = arith.cmpi eq, %iota3A, %eq3A_242 : vector<16xi32>
          %jit3A_244 = arith.constant 0 : i32
          %broadcast_in_dim3A_245 = vector.broadcast %jit3A_244 : i32 to vector<16xi32>
          %select_n3A_246 = arith.select %eq3A_243, %get3A_241, %broadcast_in_dim3A_245 : vector<16xi1>, vector<16xi32>
          %reduce_sum3A_247 = arith.constant true
          %reduce_sum3A_248 = vector.broadcast %reduce_sum3A_247 : i1 to vector<16xi1>
          %reduce_sum3A_249 = tpu.scan <sum>, %select_n3A_246 masked %reduce_sum3A_248 : vector<16xi32>, vector<16xi1> -> vector<16xi32>
          %reduce_sum3A_250 = vector.extract %reduce_sum3A_249[15] : i32 from vector<16xi32>
          %sub3A_251 = arith.subi %reduce_sum3A_239, %add3A_212 : i32
          %broadcast_in_dim3A_252 = vector.broadcast %sub3A_251 : i32 to vector<16xi32>
          %broadcast_in_dim3A_253 = arith.constant 1 : i32
          %broadcast_in_dim3A_254 = vector.broadcast %broadcast_in_dim3A_253 : i32 to vector<16xi32>
          %add3A_255 = arith.constant 0 : i32
          %add3A_256 = vector.broadcast %add3A_255 : i32 to vector<16xi32>
          %add3A_257 = arith.addi %iota3A, %add3A_256 : vector<16xi32>
          %gather3A_258 = tpu.vector_load_idx %arg11[%broadcast_in_dim3A_254, %add3A_257, %broadcast_in_dim3A_252] : memref<2x64x512xf32, #tpu.memory_space<vmem>>[vector<16xi32>, vector<16xi32>, vector<16xi32>], vector<16xf32>,
          %add3A_259 = arith.constant 16 : i32
          %add3A_260 = vector.broadcast %add3A_259 : i32 to vector<16xi32>
          %add3A_261 = arith.addi %iota3A, %add3A_260 : vector<16xi32>
          %gather3A_262 = tpu.vector_load_idx %arg11[%broadcast_in_dim3A_254, %add3A_261, %broadcast_in_dim3A_252] : memref<2x64x512xf32, #tpu.memory_space<vmem>>[vector<16xi32>, vector<16xi32>, vector<16xi32>], vector<16xf32>,
          %add3A_263 = arith.constant 32 : i32
          %add3A_264 = vector.broadcast %add3A_263 : i32 to vector<16xi32>
          %add3A_265 = arith.addi %iota3A, %add3A_264 : vector<16xi32>
          %gather3A_266 = tpu.vector_load_idx %arg11[%broadcast_in_dim3A_254, %add3A_265, %broadcast_in_dim3A_252] : memref<2x64x512xf32, #tpu.memory_space<vmem>>[vector<16xi32>, vector<16xi32>, vector<16xi32>], vector<16xf32>,
          %add3A_267 = arith.constant 48 : i32
          %add3A_268 = vector.broadcast %add3A_267 : i32 to vector<16xi32>
          %add3A_269 = arith.addi %iota3A, %add3A_268 : vector<16xi32>
          %gather3A_270 = tpu.vector_load_idx %arg11[%broadcast_in_dim3A_254, %add3A_269, %broadcast_in_dim3A_252] : memref<2x64x512xf32, #tpu.memory_space<vmem>>[vector<16xi32>, vector<16xi32>, vector<16xi32>], vector<16xf32>,
          %exp3A = math.exp %gather3A_258 : vector<16xf32>
          %exp3A_271 = math.exp %gather3A_262 : vector<16xf32>
          %exp3A_272 = math.exp %gather3A_266 : vector<16xf32>
          %exp3A_273 = math.exp %gather3A_270 : vector<16xf32>
          %add3A_274 = arith.addf %exp3A, %exp3A_271 : vector<16xf32>
          %add3A_275 = arith.addf %exp3A_272, %exp3A_273 : vector<16xf32>
          %add3A_276 = arith.addf %add3A_274, %add3A_275 : vector<16xf32>
          %broadcast_in_dim3A_277 = arith.constant true
          %broadcast_in_dim3A_278 = vector.broadcast %broadcast_in_dim3A_277 : i1 to vector<16xi1>
          %masked_cumsum3A_279 = tpu.scan <sum>, %add3A_276 masked %broadcast_in_dim3A_278 : vector<16xf32>, vector<16xi1> -> vector<16xf32>
          %broadcast_in_dim3A_280 = arith.constant 15 : i32
          %broadcast_in_dim3A_281 = vector.broadcast %broadcast_in_dim3A_280 : i32 to vector<16x1xi32>
          %gather3A_282 = vector.shape_cast %broadcast_in_dim3A_281 : vector<16x1xi32> to vector<16xi32>
          %gather3A_283 = tpu.dynamic_gather %masked_cumsum3A_279[%gather3A_282] in [0] : vector<16xf32>, vector<16xi32> -> vector<16xf32>
          %div3A = arith.constant 1.000000e+00 : f32
          %div3A_284 = vector.broadcast %div3A : f32 to vector<16xf32>
          %div3A_285 = arith.divf %div3A_284, %gather3A_283 : vector<16xf32>
          %and3A_286 = arith.constant 1 : i32
          %and3A_287 = arith.andi %while3A_224, %and3A_286 : i32
          %mul3A_288 = arith.mulf %exp3A, %div3A_285 : vector<16xf32>
          %swap3A_289 = arith.index_cast %and3A_287 : i32 to index
          %swap3A_290 = arith.index_cast %while3A_223 : i32 to index
          %swap3A_291 = arith.constant 0 : index
          %swap3A_292 = tpu.vector_load %arg12[%swap3A_289, %swap3A_290, %swap3A_291] {strides = array<i32>} : memref<2x48x128xf32, #tpu.memory_space<vmem>>, vector<16xf32>,
          tpu.vector_store %arg12[%swap3A_289, %swap3A_290, %swap3A_291], %mul3A_288 {strides = array<i32>} : memref<2x48x128xf32, #tpu.memory_space<vmem>>, vector<16xf32>,
          %mul3A_293 = arith.mulf %exp3A_271, %div3A_285 : vector<16xf32>
          %swap3A_294 = arith.index_cast %and3A_287 : i32 to index
          %swap3A_295 = arith.index_cast %while3A_223 : i32 to index
          %swap3A_296 = arith.constant 16 : index
          %swap3A_297 = tpu.vector_load %arg12[%swap3A_294, %swap3A_295, %swap3A_296] {strides = array<i32>} : memref<2x48x128xf32, #tpu.memory_space<vmem>>, vector<16xf32>,
          tpu.vector_store %arg12[%swap3A_294, %swap3A_295, %swap3A_296], %mul3A_293 {strides = array<i32>} : memref<2x48x128xf32, #tpu.memory_space<vmem>>, vector<16xf32>,
          %mul3A_298 = arith.mulf %exp3A_272, %div3A_285 : vector<16xf32>
          %swap3A_299 = arith.index_cast %and3A_287 : i32 to index
          %swap3A_300 = arith.index_cast %while3A_223 : i32 to index
          %swap3A_301 = arith.constant 32 : index
          %swap3A_302 = tpu.vector_load %arg12[%swap3A_299, %swap3A_300, %swap3A_301] {strides = array<i32>} : memref<2x48x128xf32, #tpu.memory_space<vmem>>, vector<16xf32>,
          tpu.vector_store %arg12[%swap3A_299, %swap3A_300, %swap3A_301], %mul3A_298 {strides = array<i32>} : memref<2x48x128xf32, #tpu.memory_space<vmem>>, vector<16xf32>,
          %mul3A_303 = arith.mulf %exp3A_273, %div3A_285 : vector<16xf32>
          %swap3A_304 = arith.index_cast %and3A_287 : i32 to index
          %swap3A_305 = arith.index_cast %while3A_223 : i32 to index
          %swap3A_306 = arith.constant 48 : index
          %swap3A_307 = tpu.vector_load %arg12[%swap3A_304, %swap3A_305, %swap3A_306] {strides = array<i32>} : memref<2x48x128xf32, #tpu.memory_space<vmem>>, vector<16xf32>,
          tpu.vector_store %arg12[%swap3A_304, %swap3A_305, %swap3A_306], %mul3A_303 {strides = array<i32>} : memref<2x48x128xf32, #tpu.memory_space<vmem>>, vector<16xf32>,
          %broadcast_in_dim3A_308 = vector.broadcast %reduce_sum3A_250 : i32 to vector<16xi32>
          %broadcast_in_dim3A_309 = vector.broadcast %while3A_223 : i32 to vector<16xi32>
          %eq3A_310 = arith.constant 0 : i32
          %eq3A_311 = arith.cmpi eq, %and3A_287, %eq3A_310 : i32
          %convert_element_type3A_312 = arith.extui %eq3A_311 : i1 to i32
          %cond3A_313 = arith.constant 0 : i32
          %cond3A_314 = arith.cmpi ne, %convert_element_type3A_312, %cond3A_313 : i32
          scf.if %cond3A_314 {
            %eq3A_330 = arith.constant 0 : i32
            %eq3A_331 = vector.broadcast %eq3A_330 : i32 to vector<16xi32>
            %eq3A_332 = arith.cmpi eq, %iota3A, %eq3A_331 : vector<16xi32>
            tpu.vector_store_idx %arg13[%broadcast_in_dim3A_309], %broadcast_in_dim3A_308 masked %eq3A_332 : memref<48xi32, #tpu.memory_space<vmem>>[vector<16xi32>], vector<16xi32>, vector<16xi1>
          } else {
          }
          %eq3A_315 = arith.constant 1 : i32
          %eq3A_316 = arith.cmpi eq, %and3A_287, %eq3A_315 : i32
          %convert_element_type3A_317 = arith.extui %eq3A_316 : i1 to i32
          %cond3A_318 = arith.constant 0 : i32
          %cond3A_319 = arith.cmpi ne, %convert_element_type3A_317, %cond3A_318 : i32
          scf.if %cond3A_319 {
            %eq3A_330 = arith.constant 0 : i32
            %eq3A_331 = vector.broadcast %eq3A_330 : i32 to vector<16xi32>
            %eq3A_332 = arith.cmpi eq, %iota3A, %eq3A_331 : vector<16xi32>
            tpu.vector_store_idx %arg14[%broadcast_in_dim3A_309], %broadcast_in_dim3A_308 masked %eq3A_332 : memref<48xi32, #tpu.memory_space<vmem>>[vector<16xi32>], vector<16xi32>, vector<16xi1>
          } else {
          }
          %eq3A_320 = arith.constant 47 : i32
          %eq3A_321 = arith.cmpi eq, %while3A_223, %eq3A_320 : i32
          %convert_element_type3A_322 = arith.extui %eq3A_321 : i1 to i32
          %cond3A_323 = arith.constant 0 : i32
          %cond3A_324 = arith.cmpi ne, %convert_element_type3A_322, %cond3A_323 : i32
          %cond3A_325 = scf.if %cond3A_324 -> (i32) {
            %and3A_330 = arith.constant 1 : i32
            %and3A_331 = arith.andi %while3A_224, %and3A_330 : i32
            %eq3A_332 = arith.constant 0 : i32
            %eq3A_333 = arith.cmpi eq, %and3A_331, %eq3A_332 : i32
            %convert_element_type3A_334 = arith.extui %eq3A_333 : i1 to i32
            %cond3A_335 = arith.constant 0 : i32
            %cond3A_336 = arith.cmpi ne, %convert_element_type3A_334, %cond3A_335 : i32
            scf.if %cond3A_336 {
              %add3A_351 = arith.constant 0 : i32
              %add3A_352 = vector.broadcast %add3A_351 : i32 to vector<16xi32>
              %add3A_353 = arith.addi %iota3A, %add3A_352 : vector<16xi32>
              %get3A_354 = arith.constant 0 : index
              %get3A_355 = tpu.vector_load %arg13[%get3A_354] {strides = array<i32>} : memref<48xi32, #tpu.memory_space<vmem>>, vector<16xi32>,
              %lt3A_356 = arith.constant 48 : i32
              %lt3A_357 = vector.broadcast %lt3A_356 : i32 to vector<16xi32>
              %lt3A_358 = arith.cmpi slt, %add3A_353, %lt3A_357 : vector<16xi32>
              %select_n3A_359 = arith.select %lt3A_358, %get3A_355, %add3A_105 : vector<16xi1>, vector<16xi32>
              %swap3A_360 = arith.constant 0 : index
              %swap3A_361 = tpu.vector_load %arg13[%swap3A_360] {strides = array<i32>} : memref<48xi32, #tpu.memory_space<vmem>>, vector<16xi32>,
              tpu.vector_store %arg13[%swap3A_360], %select_n3A_359 {strides = array<i32>} : memref<48xi32, #tpu.memory_space<vmem>>, vector<16xi32>,
              %add3A_362 = arith.constant 16 : i32
              %add3A_363 = vector.broadcast %add3A_362 : i32 to vector<16xi32>
              %add3A_364 = arith.addi %iota3A, %add3A_363 : vector<16xi32>
              %get3A_365 = arith.constant 16 : index
              %get3A_366 = tpu.vector_load %arg13[%get3A_365] {strides = array<i32>} : memref<48xi32, #tpu.memory_space<vmem>>, vector<16xi32>,
              %lt3A_367 = arith.constant 48 : i32
              %lt3A_368 = vector.broadcast %lt3A_367 : i32 to vector<16xi32>
              %lt3A_369 = arith.cmpi slt, %add3A_364, %lt3A_368 : vector<16xi32>
              %select_n3A_370 = arith.select %lt3A_369, %get3A_366, %add3A_105 : vector<16xi1>, vector<16xi32>
              %swap3A_371 = arith.constant 16 : index
              %swap3A_372 = tpu.vector_load %arg13[%swap3A_371] {strides = array<i32>} : memref<48xi32, #tpu.memory_space<vmem>>, vector<16xi32>,
              tpu.vector_store %arg13[%swap3A_371], %select_n3A_370 {strides = array<i32>} : memref<48xi32, #tpu.memory_space<vmem>>, vector<16xi32>,
              %add3A_373 = arith.constant 32 : i32
              %add3A_374 = vector.broadcast %add3A_373 : i32 to vector<16xi32>
              %add3A_375 = arith.addi %iota3A, %add3A_374 : vector<16xi32>
              %get3A_376 = arith.constant 32 : index
              %get3A_377 = tpu.vector_load %arg13[%get3A_376] {strides = array<i32>} : memref<48xi32, #tpu.memory_space<vmem>>, vector<16xi32>,
              %lt3A_378 = arith.constant 48 : i32
              %lt3A_379 = vector.broadcast %lt3A_378 : i32 to vector<16xi32>
              %lt3A_380 = arith.cmpi slt, %add3A_375, %lt3A_379 : vector<16xi32>
              %select_n3A_381 = arith.select %lt3A_380, %get3A_377, %add3A_105 : vector<16xi1>, vector<16xi32>
              %swap3A_382 = arith.constant 32 : index
              %swap3A_383 = tpu.vector_load %arg13[%swap3A_382] {strides = array<i32>} : memref<48xi32, #tpu.memory_space<vmem>>, vector<16xi32>,
              tpu.vector_store %arg13[%swap3A_382], %select_n3A_381 {strides = array<i32>} : memref<48xi32, #tpu.memory_space<vmem>>, vector<16xi32>,
              %dma_start3A = arith.constant 0 : i32
              %dma_start3A_384 = arith.constant 0 : i32
              %dma_start3A_385 = arith.constant 0 : i32
              %dma_start3A_386 = tpu.memref_slice %arg12[%dma_start3A, %dma_start3A_384, %dma_start3A_385] : memref<2x48x128xf32, #tpu.memory_space<vmem>> -> memref<1x48x128xf32, #tpu.memory_space<vmem>>
              %dma_start3A_387 = tpu.memref_squeeze %dma_start3A_386 : memref<1x48x128xf32, #tpu.memory_space<vmem>> -> memref<48x128xf32, #tpu.memory_space<vmem>>
              %dma_start3A_388 = arith.constant 0 : i32
              %dma_start3A_389 = arith.constant 0 : i32
              %dma_start3A_390 = tpu.memref_slice %arg4[%dma_start3A_388, %dma_start3A_389] : memref<16416x128xf32, #tpu.memory_space<hbm>> -> memref<16416x128xf32, #tpu.memory_space<hbm>>
              tpu.enqueue_indirect_dma source(%dma_start3A_387 : memref<48x128xf32, #tpu.memory_space<vmem>>) target(%dma_start3A_390 : memref<16416x128xf32, #tpu.memory_space<hbm>>) offsets(%arg13 : memref<48xi32, #tpu.memory_space<vmem>>) semaphore(%arg17 : memref<!tpu.dma_semaphore, #tpu.memory_space<semaphore_mem>>)
            } else {
            }
            %and3A_337 = arith.constant 1 : i32
            %and3A_338 = arith.andi %while3A_224, %and3A_337 : i32
            %eq3A_339 = arith.constant 1 : i32
            %eq3A_340 = arith.cmpi eq, %and3A_338, %eq3A_339 : i32
            %convert_element_type3A_341 = arith.extui %eq3A_340 : i1 to i32
            %cond3A_342 = arith.constant 0 : i32
            %cond3A_343 = arith.cmpi ne, %convert_element_type3A_341, %cond3A_342 : i32
            scf.if %cond3A_343 {
              %add3A_351 = arith.constant 0 : i32
              %add3A_352 = vector.broadcast %add3A_351 : i32 to vector<16xi32>
              %add3A_353 = arith.addi %iota3A, %add3A_352 : vector<16xi32>
              %get3A_354 = arith.constant 0 : index
              %get3A_355 = tpu.vector_load %arg14[%get3A_354] {strides = array<i32>} : memref<48xi32, #tpu.memory_space<vmem>>, vector<16xi32>,
              %lt3A_356 = arith.constant 48 : i32
              %lt3A_357 = vector.broadcast %lt3A_356 : i32 to vector<16xi32>
              %lt3A_358 = arith.cmpi slt, %add3A_353, %lt3A_357 : vector<16xi32>
              %select_n3A_359 = arith.select %lt3A_358, %get3A_355, %add3A_105 : vector<16xi1>, vector<16xi32>
              %swap3A_360 = arith.constant 0 : index
              %swap3A_361 = tpu.vector_load %arg14[%swap3A_360] {strides = array<i32>} : memref<48xi32, #tpu.memory_space<vmem>>, vector<16xi32>,
              tpu.vector_store %arg14[%swap3A_360], %select_n3A_359 {strides = array<i32>} : memref<48xi32, #tpu.memory_space<vmem>>, vector<16xi32>,
              %add3A_362 = arith.constant 16 : i32
              %add3A_363 = vector.broadcast %add3A_362 : i32 to vector<16xi32>
              %add3A_364 = arith.addi %iota3A, %add3A_363 : vector<16xi32>
              %get3A_365 = arith.constant 16 : index
              %get3A_366 = tpu.vector_load %arg14[%get3A_365] {strides = array<i32>} : memref<48xi32, #tpu.memory_space<vmem>>, vector<16xi32>,
              %lt3A_367 = arith.constant 48 : i32
              %lt3A_368 = vector.broadcast %lt3A_367 : i32 to vector<16xi32>
              %lt3A_369 = arith.cmpi slt, %add3A_364, %lt3A_368 : vector<16xi32>
              %select_n3A_370 = arith.select %lt3A_369, %get3A_366, %add3A_105 : vector<16xi1>, vector<16xi32>
              %swap3A_371 = arith.constant 16 : index
              %swap3A_372 = tpu.vector_load %arg14[%swap3A_371] {strides = array<i32>} : memref<48xi32, #tpu.memory_space<vmem>>, vector<16xi32>,
              tpu.vector_store %arg14[%swap3A_371], %select_n3A_370 {strides = array<i32>} : memref<48xi32, #tpu.memory_space<vmem>>, vector<16xi32>,
              %add3A_373 = arith.constant 32 : i32
              %add3A_374 = vector.broadcast %add3A_373 : i32 to vector<16xi32>
              %add3A_375 = arith.addi %iota3A, %add3A_374 : vector<16xi32>
              %get3A_376 = arith.constant 32 : index
              %get3A_377 = tpu.vector_load %arg14[%get3A_376] {strides = array<i32>} : memref<48xi32, #tpu.memory_space<vmem>>, vector<16xi32>,
              %lt3A_378 = arith.constant 48 : i32
              %lt3A_379 = vector.broadcast %lt3A_378 : i32 to vector<16xi32>
              %lt3A_380 = arith.cmpi slt, %add3A_375, %lt3A_379 : vector<16xi32>
              %select_n3A_381 = arith.select %lt3A_380, %get3A_377, %add3A_105 : vector<16xi1>, vector<16xi32>
              %swap3A_382 = arith.constant 32 : index
              %swap3A_383 = tpu.vector_load %arg14[%swap3A_382] {strides = array<i32>} : memref<48xi32, #tpu.memory_space<vmem>>, vector<16xi32>,
              tpu.vector_store %arg14[%swap3A_382], %select_n3A_381 {strides = array<i32>} : memref<48xi32, #tpu.memory_space<vmem>>, vector<16xi32>,
              %dma_start3A = arith.constant 1 : i32
              %dma_start3A_384 = arith.constant 0 : i32
              %dma_start3A_385 = arith.constant 0 : i32
              %dma_start3A_386 = tpu.memref_slice %arg12[%dma_start3A, %dma_start3A_384, %dma_start3A_385] : memref<2x48x128xf32, #tpu.memory_space<vmem>> -> memref<1x48x128xf32, #tpu.memory_space<vmem>>
              %dma_start3A_387 = tpu.memref_squeeze %dma_start3A_386 : memref<1x48x128xf32, #tpu.memory_space<vmem>> -> memref<48x128xf32, #tpu.memory_space<vmem>>
              %dma_start3A_388 = arith.constant 0 : i32
              %dma_start3A_389 = arith.constant 0 : i32
              %dma_start3A_390 = tpu.memref_slice %arg4[%dma_start3A_388, %dma_start3A_389] : memref<16416x128xf32, #tpu.memory_space<hbm>> -> memref<16416x128xf32, #tpu.memory_space<hbm>>
              tpu.enqueue_indirect_dma source(%dma_start3A_387 : memref<48x128xf32, #tpu.memory_space<vmem>>) target(%dma_start3A_390 : memref<16416x128xf32, #tpu.memory_space<hbm>>) offsets(%arg14 : memref<48xi32, #tpu.memory_space<vmem>>) semaphore(%arg17 : memref<!tpu.dma_semaphore, #tpu.memory_space<semaphore_mem>>)
            } else {
            }
            %gt3A_344 = arith.constant 0 : i32
            %gt3A_345 = arith.cmpi sgt, %while3A_224, %gt3A_344 : i32
            %convert_element_type3A_346 = arith.extui %gt3A_345 : i1 to i32
            %cond3A_347 = arith.constant 0 : i32
            %cond3A_348 = arith.cmpi ne, %convert_element_type3A_346, %cond3A_347 : i32
            scf.if %cond3A_348 {
              %dma_wait3A_351 = arith.constant 0 : i32
              %dma_wait3A_352 = arith.constant 0 : i32
              %dma_wait3A_353 = arith.constant 0 : i32
              %dma_wait3A_354 = tpu.memref_slice %arg12[%dma_wait3A_351, %dma_wait3A_352, %dma_wait3A_353] : memref<2x48x128xf32, #tpu.memory_space<vmem>> -> memref<1x48x128xf32, #tpu.memory_space<vmem>>
              %dma_wait3A_355 = tpu.memref_squeeze %dma_wait3A_354 : memref<1x48x128xf32, #tpu.memory_space<vmem>> -> memref<48x128xf32, #tpu.memory_space<vmem>>
              %dma_wait3A_356 = arith.constant 0 : i32
              %dma_wait3A_357 = arith.constant 0 : i32
              %dma_wait3A_358 = tpu.memref_slice %arg2[%dma_wait3A_356, %dma_wait3A_357] : memref<64x1000000xf32, #tpu.memory_space<hbm>> -> memref<48x128xf32, #tpu.memory_space<hbm>>
              %dma_wait3A_359 = arith.constant 0 : i32
              %dma_wait3A_360 = arith.constant 0 : i32
              %dma_wait3A_361 = tpu.memref_slice %arg12[%dma_wait3A_351, %dma_wait3A_359, %dma_wait3A_360] : memref<2x48x128xf32, #tpu.memory_space<vmem>> -> memref<1x48x128xf32, #tpu.memory_space<vmem>>
              %dma_wait3A_362 = tpu.memref_squeeze %dma_wait3A_361 : memref<1x48x128xf32, #tpu.memory_space<vmem>> -> memref<48x128xf32, #tpu.memory_space<vmem>>
              %dma_wait3A_363 = arith.constant 0 : i32
              %dma_wait3A_364 = arith.constant 0 : i32
              %dma_wait3A_365 = tpu.memref_slice %arg2[%dma_wait3A_363, %dma_wait3A_364] : memref<64x1000000xf32, #tpu.memory_space<hbm>> -> memref<48x128xf32, #tpu.memory_space<hbm>>
              tpu.wait_dma2 semaphore(%arg17 : memref<!tpu.dma_semaphore, #tpu.memory_space<semaphore_mem>>) src(%dma_wait3A_365 : memref<48x128xf32, #tpu.memory_space<hbm>>) dst(%dma_wait3A_362 : memref<48x128xf32, #tpu.memory_space<vmem>>)
            } else {
            }
            %add3A_349 = arith.constant 1 : i32
            %add3A_350 = arith.addi %while3A_224, %add3A_349 : i32
            scf.yield %add3A_350 : i32
          } else {
            scf.yield %while3A_224 : i32
          }
          %add3A_326 = arith.constant 1 : i32
          %add3A_327 = arith.addi %while3A_223, %add3A_326 : i32
          %jit3A_328 = arith.constant 0 : i32
          %select_n3A_329 = arith.select %eq3A_321, %jit3A_328, %add3A_327 : i32
          scf.yield %select_n3A_329, %cond3A_325 : i32, i32
        }
        %while3A_220 = arith.constant 1 : i32
        %while3A_221:2 = scf.for %while3A_222 = %while3A_217 to %while3A_213 step %while3A_220 iter_args(%while3A_223 = %while3A_219#0, %while3A_224 = %while3A_219#1) -> (i32, i32)  : i32 {
          %and3A_225 = arith.constant -16 : i32
          %and3A_226 = arith.andi %while3A_222, %and3A_225 : i32
          %and3A_227 = arith.constant 15 : i32
          %and3A_228 = arith.andi %while3A_222, %and3A_227 : i32
          %get3A_229 = arith.index_cast %and3A_226 : i32 to index
          %get3A_230 = tpu.vector_load %arg6[%get3A_229] {strides = array<i32>} : memref<16400xi32, #tpu.memory_space<vmem>>, vector<16xi32>,
          %eq3A_231 = vector.broadcast %and3A_228 : i32 to vector<16xi32>
          %eq3A_232 = arith.cmpi eq, %iota3A, %eq3A_231 : vector<16xi32>
          %jit3A_233 = arith.constant 0 : i32
          %broadcast_in_dim3A_234 = vector.broadcast %jit3A_233 : i32 to vector<16xi32>
          %select_n3A_235 = arith.select %eq3A_232, %get3A_230, %broadcast_in_dim3A_234 : vector<16xi1>, vector<16xi32>
          %reduce_sum3A_236 = arith.constant true
          %reduce_sum3A_237 = vector.broadcast %reduce_sum3A_236 : i1 to vector<16xi1>
          %reduce_sum3A_238 = tpu.scan <sum>, %select_n3A_235 masked %reduce_sum3A_237 : vector<16xi32>, vector<16xi1> -> vector<16xi32>
          %reduce_sum3A_239 = vector.extract %reduce_sum3A_238[15] : i32 from vector<16xi32>
          %get3A_240 = arith.index_cast %and3A_226 : i32 to index
          %get3A_241 = tpu.vector_load %arg7[%get3A_240] {strides = array<i32>} : memref<16400xi32, #tpu.memory_space<vmem>>, vector<16xi32>,
          %eq3A_242 = vector.broadcast %and3A_228 : i32 to vector<16xi32>
          %eq3A_243 = arith.cmpi eq, %iota3A, %eq3A_242 : vector<16xi32>
          %jit3A_244 = arith.constant 0 : i32
          %broadcast_in_dim3A_245 = vector.broadcast %jit3A_244 : i32 to vector<16xi32>
          %select_n3A_246 = arith.select %eq3A_243, %get3A_241, %broadcast_in_dim3A_245 : vector<16xi1>, vector<16xi32>
          %reduce_sum3A_247 = arith.constant true
          %reduce_sum3A_248 = vector.broadcast %reduce_sum3A_247 : i1 to vector<16xi1>
          %reduce_sum3A_249 = tpu.scan <sum>, %select_n3A_246 masked %reduce_sum3A_248 : vector<16xi32>, vector<16xi1> -> vector<16xi32>
          %reduce_sum3A_250 = vector.extract %reduce_sum3A_249[15] : i32 from vector<16xi32>
          %sub3A_251 = arith.subi %reduce_sum3A_239, %add3A_212 : i32
          %broadcast_in_dim3A_252 = vector.broadcast %sub3A_251 : i32 to vector<16xi32>
          %broadcast_in_dim3A_253 = arith.constant 1 : i32
          %broadcast_in_dim3A_254 = vector.broadcast %broadcast_in_dim3A_253 : i32 to vector<16xi32>
          %add3A_255 = arith.constant 0 : i32
          %add3A_256 = vector.broadcast %add3A_255 : i32 to vector<16xi32>
          %add3A_257 = arith.addi %iota3A, %add3A_256 : vector<16xi32>
          %gather3A_258 = tpu.vector_load_idx %arg11[%broadcast_in_dim3A_254, %add3A_257, %broadcast_in_dim3A_252] : memref<2x64x512xf32, #tpu.memory_space<vmem>>[vector<16xi32>, vector<16xi32>, vector<16xi32>], vector<16xf32>,
          %add3A_259 = arith.constant 16 : i32
          %add3A_260 = vector.broadcast %add3A_259 : i32 to vector<16xi32>
          %add3A_261 = arith.addi %iota3A, %add3A_260 : vector<16xi32>
          %gather3A_262 = tpu.vector_load_idx %arg11[%broadcast_in_dim3A_254, %add3A_261, %broadcast_in_dim3A_252] : memref<2x64x512xf32, #tpu.memory_space<vmem>>[vector<16xi32>, vector<16xi32>, vector<16xi32>], vector<16xf32>,
          %add3A_263 = arith.constant 32 : i32
          %add3A_264 = vector.broadcast %add3A_263 : i32 to vector<16xi32>
          %add3A_265 = arith.addi %iota3A, %add3A_264 : vector<16xi32>
          %gather3A_266 = tpu.vector_load_idx %arg11[%broadcast_in_dim3A_254, %add3A_265, %broadcast_in_dim3A_252] : memref<2x64x512xf32, #tpu.memory_space<vmem>>[vector<16xi32>, vector<16xi32>, vector<16xi32>], vector<16xf32>,
          %add3A_267 = arith.constant 48 : i32
          %add3A_268 = vector.broadcast %add3A_267 : i32 to vector<16xi32>
          %add3A_269 = arith.addi %iota3A, %add3A_268 : vector<16xi32>
          %gather3A_270 = tpu.vector_load_idx %arg11[%broadcast_in_dim3A_254, %add3A_269, %broadcast_in_dim3A_252] : memref<2x64x512xf32, #tpu.memory_space<vmem>>[vector<16xi32>, vector<16xi32>, vector<16xi32>], vector<16xf32>,
          %exp3A = math.exp %gather3A_258 : vector<16xf32>
          %exp3A_271 = math.exp %gather3A_262 : vector<16xf32>
          %exp3A_272 = math.exp %gather3A_266 : vector<16xf32>
          %exp3A_273 = math.exp %gather3A_270 : vector<16xf32>
          %add3A_274 = arith.addf %exp3A, %exp3A_271 : vector<16xf32>
          %add3A_275 = arith.addf %exp3A_272, %exp3A_273 : vector<16xf32>
          %add3A_276 = arith.addf %add3A_274, %add3A_275 : vector<16xf32>
          %broadcast_in_dim3A_277 = arith.constant true
          %broadcast_in_dim3A_278 = vector.broadcast %broadcast_in_dim3A_277 : i1 to vector<16xi1>
          %masked_cumsum3A_279 = tpu.scan <sum>, %add3A_276 masked %broadcast_in_dim3A_278 : vector<16xf32>, vector<16xi1> -> vector<16xf32>
          %broadcast_in_dim3A_280 = arith.constant 15 : i32
          %broadcast_in_dim3A_281 = vector.broadcast %broadcast_in_dim3A_280 : i32 to vector<16x1xi32>
          %gather3A_282 = vector.shape_cast %broadcast_in_dim3A_281 : vector<16x1xi32> to vector<16xi32>
          %gather3A_283 = tpu.dynamic_gather %masked_cumsum3A_279[%gather3A_282] in [0] : vector<16xf32>, vector<16xi32> -> vector<16xf32>
          %div3A = arith.constant 1.000000e+00 : f32
          %div3A_284 = vector.broadcast %div3A : f32 to vector<16xf32>
          %div3A_285 = arith.divf %div3A_284, %gather3A_283 : vector<16xf32>
          %and3A_286 = arith.constant 1 : i32
          %and3A_287 = arith.andi %while3A_224, %and3A_286 : i32
          %mul3A_288 = arith.mulf %exp3A, %div3A_285 : vector<16xf32>
          %swap3A_289 = arith.index_cast %and3A_287 : i32 to index
          %swap3A_290 = arith.index_cast %while3A_223 : i32 to index
          %swap3A_291 = arith.constant 0 : index
          %swap3A_292 = tpu.vector_load %arg12[%swap3A_289, %swap3A_290, %swap3A_291] {strides = array<i32>} : memref<2x48x128xf32, #tpu.memory_space<vmem>>, vector<16xf32>,
          tpu.vector_store %arg12[%swap3A_289, %swap3A_290, %swap3A_291], %mul3A_288 {strides = array<i32>} : memref<2x48x128xf32, #tpu.memory_space<vmem>>, vector<16xf32>,
          %mul3A_293 = arith.mulf %exp3A_271, %div3A_285 : vector<16xf32>
          %swap3A_294 = arith.index_cast %and3A_287 : i32 to index
          %swap3A_295 = arith.index_cast %while3A_223 : i32 to index
          %swap3A_296 = arith.constant 16 : index
          %swap3A_297 = tpu.vector_load %arg12[%swap3A_294, %swap3A_295, %swap3A_296] {strides = array<i32>} : memref<2x48x128xf32, #tpu.memory_space<vmem>>, vector<16xf32>,
          tpu.vector_store %arg12[%swap3A_294, %swap3A_295, %swap3A_296], %mul3A_293 {strides = array<i32>} : memref<2x48x128xf32, #tpu.memory_space<vmem>>, vector<16xf32>,
          %mul3A_298 = arith.mulf %exp3A_272, %div3A_285 : vector<16xf32>
          %swap3A_299 = arith.index_cast %and3A_287 : i32 to index
          %swap3A_300 = arith.index_cast %while3A_223 : i32 to index
          %swap3A_301 = arith.constant 32 : index
          %swap3A_302 = tpu.vector_load %arg12[%swap3A_299, %swap3A_300, %swap3A_301] {strides = array<i32>} : memref<2x48x128xf32, #tpu.memory_space<vmem>>, vector<16xf32>,
          tpu.vector_store %arg12[%swap3A_299, %swap3A_300, %swap3A_301], %mul3A_298 {strides = array<i32>} : memref<2x48x128xf32, #tpu.memory_space<vmem>>, vector<16xf32>,
          %mul3A_303 = arith.mulf %exp3A_273, %div3A_285 : vector<16xf32>
          %swap3A_304 = arith.index_cast %and3A_287 : i32 to index
          %swap3A_305 = arith.index_cast %while3A_223 : i32 to index
          %swap3A_306 = arith.constant 48 : index
          %swap3A_307 = tpu.vector_load %arg12[%swap3A_304, %swap3A_305, %swap3A_306] {strides = array<i32>} : memref<2x48x128xf32, #tpu.memory_space<vmem>>, vector<16xf32>,
          tpu.vector_store %arg12[%swap3A_304, %swap3A_305, %swap3A_306], %mul3A_303 {strides = array<i32>} : memref<2x48x128xf32, #tpu.memory_space<vmem>>, vector<16xf32>,
          %broadcast_in_dim3A_308 = vector.broadcast %reduce_sum3A_250 : i32 to vector<16xi32>
          %broadcast_in_dim3A_309 = vector.broadcast %while3A_223 : i32 to vector<16xi32>
          %eq3A_310 = arith.constant 0 : i32
          %eq3A_311 = arith.cmpi eq, %and3A_287, %eq3A_310 : i32
          %convert_element_type3A_312 = arith.extui %eq3A_311 : i1 to i32
          %cond3A_313 = arith.constant 0 : i32
          %cond3A_314 = arith.cmpi ne, %convert_element_type3A_312, %cond3A_313 : i32
          scf.if %cond3A_314 {
            %eq3A_330 = arith.constant 0 : i32
            %eq3A_331 = vector.broadcast %eq3A_330 : i32 to vector<16xi32>
            %eq3A_332 = arith.cmpi eq, %iota3A, %eq3A_331 : vector<16xi32>
            tpu.vector_store_idx %arg13[%broadcast_in_dim3A_309], %broadcast_in_dim3A_308 masked %eq3A_332 : memref<48xi32, #tpu.memory_space<vmem>>[vector<16xi32>], vector<16xi32>, vector<16xi1>
          } else {
          }
          %eq3A_315 = arith.constant 1 : i32
          %eq3A_316 = arith.cmpi eq, %and3A_287, %eq3A_315 : i32
          %convert_element_type3A_317 = arith.extui %eq3A_316 : i1 to i32
          %cond3A_318 = arith.constant 0 : i32
          %cond3A_319 = arith.cmpi ne, %convert_element_type3A_317, %cond3A_318 : i32
          scf.if %cond3A_319 {
            %eq3A_330 = arith.constant 0 : i32
            %eq3A_331 = vector.broadcast %eq3A_330 : i32 to vector<16xi32>
            %eq3A_332 = arith.cmpi eq, %iota3A, %eq3A_331 : vector<16xi32>
            tpu.vector_store_idx %arg14[%broadcast_in_dim3A_309], %broadcast_in_dim3A_308 masked %eq3A_332 : memref<48xi32, #tpu.memory_space<vmem>>[vector<16xi32>], vector<16xi32>, vector<16xi1>
          } else {
          }
          %eq3A_320 = arith.constant 47 : i32
          %eq3A_321 = arith.cmpi eq, %while3A_223, %eq3A_320 : i32
          %convert_element_type3A_322 = arith.extui %eq3A_321 : i1 to i32
          %cond3A_323 = arith.constant 0 : i32
          %cond3A_324 = arith.cmpi ne, %convert_element_type3A_322, %cond3A_323 : i32
          %cond3A_325 = scf.if %cond3A_324 -> (i32) {
            %and3A_330 = arith.constant 1 : i32
            %and3A_331 = arith.andi %while3A_224, %and3A_330 : i32
            %eq3A_332 = arith.constant 0 : i32
            %eq3A_333 = arith.cmpi eq, %and3A_331, %eq3A_332 : i32
            %convert_element_type3A_334 = arith.extui %eq3A_333 : i1 to i32
            %cond3A_335 = arith.constant 0 : i32
            %cond3A_336 = arith.cmpi ne, %convert_element_type3A_334, %cond3A_335 : i32
            scf.if %cond3A_336 {
              %add3A_351 = arith.constant 0 : i32
              %add3A_352 = vector.broadcast %add3A_351 : i32 to vector<16xi32>
              %add3A_353 = arith.addi %iota3A, %add3A_352 : vector<16xi32>
              %get3A_354 = arith.constant 0 : index
              %get3A_355 = tpu.vector_load %arg13[%get3A_354] {strides = array<i32>} : memref<48xi32, #tpu.memory_space<vmem>>, vector<16xi32>,
              %lt3A_356 = arith.constant 48 : i32
              %lt3A_357 = vector.broadcast %lt3A_356 : i32 to vector<16xi32>
              %lt3A_358 = arith.cmpi slt, %add3A_353, %lt3A_357 : vector<16xi32>
              %select_n3A_359 = arith.select %lt3A_358, %get3A_355, %add3A_105 : vector<16xi1>, vector<16xi32>
              %swap3A_360 = arith.constant 0 : index
              %swap3A_361 = tpu.vector_load %arg13[%swap3A_360] {strides = array<i32>} : memref<48xi32, #tpu.memory_space<vmem>>, vector<16xi32>,
              tpu.vector_store %arg13[%swap3A_360], %select_n3A_359 {strides = array<i32>} : memref<48xi32, #tpu.memory_space<vmem>>, vector<16xi32>,
              %add3A_362 = arith.constant 16 : i32
              %add3A_363 = vector.broadcast %add3A_362 : i32 to vector<16xi32>
              %add3A_364 = arith.addi %iota3A, %add3A_363 : vector<16xi32>
              %get3A_365 = arith.constant 16 : index
              %get3A_366 = tpu.vector_load %arg13[%get3A_365] {strides = array<i32>} : memref<48xi32, #tpu.memory_space<vmem>>, vector<16xi32>,
              %lt3A_367 = arith.constant 48 : i32
              %lt3A_368 = vector.broadcast %lt3A_367 : i32 to vector<16xi32>
              %lt3A_369 = arith.cmpi slt, %add3A_364, %lt3A_368 : vector<16xi32>
              %select_n3A_370 = arith.select %lt3A_369, %get3A_366, %add3A_105 : vector<16xi1>, vector<16xi32>
              %swap3A_371 = arith.constant 16 : index
              %swap3A_372 = tpu.vector_load %arg13[%swap3A_371] {strides = array<i32>} : memref<48xi32, #tpu.memory_space<vmem>>, vector<16xi32>,
              tpu.vector_store %arg13[%swap3A_371], %select_n3A_370 {strides = array<i32>} : memref<48xi32, #tpu.memory_space<vmem>>, vector<16xi32>,
              %add3A_373 = arith.constant 32 : i32
              %add3A_374 = vector.broadcast %add3A_373 : i32 to vector<16xi32>
              %add3A_375 = arith.addi %iota3A, %add3A_374 : vector<16xi32>
              %get3A_376 = arith.constant 32 : index
              %get3A_377 = tpu.vector_load %arg13[%get3A_376] {strides = array<i32>} : memref<48xi32, #tpu.memory_space<vmem>>, vector<16xi32>,
              %lt3A_378 = arith.constant 48 : i32
              %lt3A_379 = vector.broadcast %lt3A_378 : i32 to vector<16xi32>
              %lt3A_380 = arith.cmpi slt, %add3A_375, %lt3A_379 : vector<16xi32>
              %select_n3A_381 = arith.select %lt3A_380, %get3A_377, %add3A_105 : vector<16xi1>, vector<16xi32>
              %swap3A_382 = arith.constant 32 : index
              %swap3A_383 = tpu.vector_load %arg13[%swap3A_382] {strides = array<i32>} : memref<48xi32, #tpu.memory_space<vmem>>, vector<16xi32>,
              tpu.vector_store %arg13[%swap3A_382], %select_n3A_381 {strides = array<i32>} : memref<48xi32, #tpu.memory_space<vmem>>, vector<16xi32>,
              %dma_start3A = arith.constant 0 : i32
              %dma_start3A_384 = arith.constant 0 : i32
              %dma_start3A_385 = arith.constant 0 : i32
              %dma_start3A_386 = tpu.memref_slice %arg12[%dma_start3A, %dma_start3A_384, %dma_start3A_385] : memref<2x48x128xf32, #tpu.memory_space<vmem>> -> memref<1x48x128xf32, #tpu.memory_space<vmem>>
              %dma_start3A_387 = tpu.memref_squeeze %dma_start3A_386 : memref<1x48x128xf32, #tpu.memory_space<vmem>> -> memref<48x128xf32, #tpu.memory_space<vmem>>
              %dma_start3A_388 = arith.constant 0 : i32
              %dma_start3A_389 = arith.constant 0 : i32
              %dma_start3A_390 = tpu.memref_slice %arg4[%dma_start3A_388, %dma_start3A_389] : memref<16416x128xf32, #tpu.memory_space<hbm>> -> memref<16416x128xf32, #tpu.memory_space<hbm>>
              tpu.enqueue_indirect_dma source(%dma_start3A_387 : memref<48x128xf32, #tpu.memory_space<vmem>>) target(%dma_start3A_390 : memref<16416x128xf32, #tpu.memory_space<hbm>>) offsets(%arg13 : memref<48xi32, #tpu.memory_space<vmem>>) semaphore(%arg17 : memref<!tpu.dma_semaphore, #tpu.memory_space<semaphore_mem>>)
            } else {
            }
            %and3A_337 = arith.constant 1 : i32
            %and3A_338 = arith.andi %while3A_224, %and3A_337 : i32
            %eq3A_339 = arith.constant 1 : i32
            %eq3A_340 = arith.cmpi eq, %and3A_338, %eq3A_339 : i32
            %convert_element_type3A_341 = arith.extui %eq3A_340 : i1 to i32
            %cond3A_342 = arith.constant 0 : i32
            %cond3A_343 = arith.cmpi ne, %convert_element_type3A_341, %cond3A_342 : i32
            scf.if %cond3A_343 {
              %add3A_351 = arith.constant 0 : i32
              %add3A_352 = vector.broadcast %add3A_351 : i32 to vector<16xi32>
              %add3A_353 = arith.addi %iota3A, %add3A_352 : vector<16xi32>
              %get3A_354 = arith.constant 0 : index
              %get3A_355 = tpu.vector_load %arg14[%get3A_354] {strides = array<i32>} : memref<48xi32, #tpu.memory_space<vmem>>, vector<16xi32>,
              %lt3A_356 = arith.constant 48 : i32
              %lt3A_357 = vector.broadcast %lt3A_356 : i32 to vector<16xi32>
              %lt3A_358 = arith.cmpi slt, %add3A_353, %lt3A_357 : vector<16xi32>
              %select_n3A_359 = arith.select %lt3A_358, %get3A_355, %add3A_105 : vector<16xi1>, vector<16xi32>
              %swap3A_360 = arith.constant 0 : index
              %swap3A_361 = tpu.vector_load %arg14[%swap3A_360] {strides = array<i32>} : memref<48xi32, #tpu.memory_space<vmem>>, vector<16xi32>,
              tpu.vector_store %arg14[%swap3A_360], %select_n3A_359 {strides = array<i32>} : memref<48xi32, #tpu.memory_space<vmem>>, vector<16xi32>,
              %add3A_362 = arith.constant 16 : i32
              %add3A_363 = vector.broadcast %add3A_362 : i32 to vector<16xi32>
              %add3A_364 = arith.addi %iota3A, %add3A_363 : vector<16xi32>
              %get3A_365 = arith.constant 16 : index
              %get3A_366 = tpu.vector_load %arg14[%get3A_365] {strides = array<i32>} : memref<48xi32, #tpu.memory_space<vmem>>, vector<16xi32>,
              %lt3A_367 = arith.constant 48 : i32
              %lt3A_368 = vector.broadcast %lt3A_367 : i32 to vector<16xi32>
              %lt3A_369 = arith.cmpi slt, %add3A_364, %lt3A_368 : vector<16xi32>
              %select_n3A_370 = arith.select %lt3A_369, %get3A_366, %add3A_105 : vector<16xi1>, vector<16xi32>
              %swap3A_371 = arith.constant 16 : index
              %swap3A_372 = tpu.vector_load %arg14[%swap3A_371] {strides = array<i32>} : memref<48xi32, #tpu.memory_space<vmem>>, vector<16xi32>,
              tpu.vector_store %arg14[%swap3A_371], %select_n3A_370 {strides = array<i32>} : memref<48xi32, #tpu.memory_space<vmem>>, vector<16xi32>,
              %add3A_373 = arith.constant 32 : i32
              %add3A_374 = vector.broadcast %add3A_373 : i32 to vector<16xi32>
              %add3A_375 = arith.addi %iota3A, %add3A_374 : vector<16xi32>
              %get3A_376 = arith.constant 32 : index
              %get3A_377 = tpu.vector_load %arg14[%get3A_376] {strides = array<i32>} : memref<48xi32, #tpu.memory_space<vmem>>, vector<16xi32>,
              %lt3A_378 = arith.constant 48 : i32
              %lt3A_379 = vector.broadcast %lt3A_378 : i32 to vector<16xi32>
              %lt3A_380 = arith.cmpi slt, %add3A_375, %lt3A_379 : vector<16xi32>
              %select_n3A_381 = arith.select %lt3A_380, %get3A_377, %add3A_105 : vector<16xi1>, vector<16xi32>
              %swap3A_382 = arith.constant 32 : index
              %swap3A_383 = tpu.vector_load %arg14[%swap3A_382] {strides = array<i32>} : memref<48xi32, #tpu.memory_space<vmem>>, vector<16xi32>,
              tpu.vector_store %arg14[%swap3A_382], %select_n3A_381 {strides = array<i32>} : memref<48xi32, #tpu.memory_space<vmem>>, vector<16xi32>,
              %dma_start3A = arith.constant 1 : i32
              %dma_start3A_384 = arith.constant 0 : i32
              %dma_start3A_385 = arith.constant 0 : i32
              %dma_start3A_386 = tpu.memref_slice %arg12[%dma_start3A, %dma_start3A_384, %dma_start3A_385] : memref<2x48x128xf32, #tpu.memory_space<vmem>> -> memref<1x48x128xf32, #tpu.memory_space<vmem>>
              %dma_start3A_387 = tpu.memref_squeeze %dma_start3A_386 : memref<1x48x128xf32, #tpu.memory_space<vmem>> -> memref<48x128xf32, #tpu.memory_space<vmem>>
              %dma_start3A_388 = arith.constant 0 : i32
              %dma_start3A_389 = arith.constant 0 : i32
              %dma_start3A_390 = tpu.memref_slice %arg4[%dma_start3A_388, %dma_start3A_389] : memref<16416x128xf32, #tpu.memory_space<hbm>> -> memref<16416x128xf32, #tpu.memory_space<hbm>>
              tpu.enqueue_indirect_dma source(%dma_start3A_387 : memref<48x128xf32, #tpu.memory_space<vmem>>) target(%dma_start3A_390 : memref<16416x128xf32, #tpu.memory_space<hbm>>) offsets(%arg14 : memref<48xi32, #tpu.memory_space<vmem>>) semaphore(%arg17 : memref<!tpu.dma_semaphore, #tpu.memory_space<semaphore_mem>>)
            } else {
            }
            %gt3A_344 = arith.constant 0 : i32
            %gt3A_345 = arith.cmpi sgt, %while3A_224, %gt3A_344 : i32
            %convert_element_type3A_346 = arith.extui %gt3A_345 : i1 to i32
            %cond3A_347 = arith.constant 0 : i32
            %cond3A_348 = arith.cmpi ne, %convert_element_type3A_346, %cond3A_347 : i32
            scf.if %cond3A_348 {
              %dma_wait3A_351 = arith.constant 0 : i32
              %dma_wait3A_352 = arith.constant 0 : i32
              %dma_wait3A_353 = arith.constant 0 : i32
              %dma_wait3A_354 = tpu.memref_slice %arg12[%dma_wait3A_351, %dma_wait3A_352, %dma_wait3A_353] : memref<2x48x128xf32, #tpu.memory_space<vmem>> -> memref<1x48x128xf32, #tpu.memory_space<vmem>>
              %dma_wait3A_355 = tpu.memref_squeeze %dma_wait3A_354 : memref<1x48x128xf32, #tpu.memory_space<vmem>> -> memref<48x128xf32, #tpu.memory_space<vmem>>
              %dma_wait3A_356 = arith.constant 0 : i32
              %dma_wait3A_357 = arith.constant 0 : i32
              %dma_wait3A_358 = tpu.memref_slice %arg2[%dma_wait3A_356, %dma_wait3A_357] : memref<64x1000000xf32, #tpu.memory_space<hbm>> -> memref<48x128xf32, #tpu.memory_space<hbm>>
              %dma_wait3A_359 = arith.constant 0 : i32
              %dma_wait3A_360 = arith.constant 0 : i32
              %dma_wait3A_361 = tpu.memref_slice %arg12[%dma_wait3A_351, %dma_wait3A_359, %dma_wait3A_360] : memref<2x48x128xf32, #tpu.memory_space<vmem>> -> memref<1x48x128xf32, #tpu.memory_space<vmem>>
              %dma_wait3A_362 = tpu.memref_squeeze %dma_wait3A_361 : memref<1x48x128xf32, #tpu.memory_space<vmem>> -> memref<48x128xf32, #tpu.memory_space<vmem>>
              %dma_wait3A_363 = arith.constant 0 : i32
              %dma_wait3A_364 = arith.constant 0 : i32
              %dma_wait3A_365 = tpu.memref_slice %arg2[%dma_wait3A_363, %dma_wait3A_364] : memref<64x1000000xf32, #tpu.memory_space<hbm>> -> memref<48x128xf32, #tpu.memory_space<hbm>>
              tpu.wait_dma2 semaphore(%arg17 : memref<!tpu.dma_semaphore, #tpu.memory_space<semaphore_mem>>) src(%dma_wait3A_365 : memref<48x128xf32, #tpu.memory_space<hbm>>) dst(%dma_wait3A_362 : memref<48x128xf32, #tpu.memory_space<vmem>>)
            } else {
            }
            %add3A_349 = arith.constant 1 : i32
            %add3A_350 = arith.addi %while3A_224, %add3A_349 : i32
            scf.yield %add3A_350 : i32
          } else {
            scf.yield %while3A_224 : i32
          }
          %add3A_326 = arith.constant 1 : i32
          %add3A_327 = arith.addi %while3A_223, %add3A_326 : i32
          %jit3A_328 = arith.constant 0 : i32
          %select_n3A_329 = arith.select %eq3A_321, %jit3A_328, %add3A_327 : i32
          scf.yield %select_n3A_329, %cond3A_325 : i32, i32
        }
        scf.yield %while3A_221#0, %while3A_221#1 : i32, i32
      } else {
        scf.yield %cond3A_162#0, %cond3A_162#1 : i32, i32
      }
      scf.yield %cond3A_171#0, %cond3A_171#1 : i32, i32
    }
    %scan3A_118 = arith.constant 32 : i32
    %and3A = arith.constant 1 : i32
    %and3A_119 = arith.andi %scan3A_117#1, %and3A : i32
    %eq3A_120 = arith.constant 0 : i32
    %eq3A_121 = arith.cmpi eq, %and3A_119, %eq3A_120 : i32
    %convert_element_type3A_122 = arith.extui %eq3A_121 : i1 to i32
    %cond3A_123 = arith.constant 0 : i32
    %cond3A_124 = arith.cmpi ne, %convert_element_type3A_122, %cond3A_123 : i32
    scf.if %cond3A_124 {
      %add3A_152 = arith.constant 0 : i32
      %add3A_153 = vector.broadcast %add3A_152 : i32 to vector<16xi32>
      %add3A_154 = arith.addi %iota3A, %add3A_153 : vector<16xi32>
      %get3A_155 = arith.constant 0 : index
      %get3A_156 = tpu.vector_load %arg13[%get3A_155] {strides = array<i32>} : memref<48xi32, #tpu.memory_space<vmem>>, vector<16xi32>,
      %lt3A = vector.broadcast %scan3A_117#0 : i32 to vector<16xi32>
      %lt3A_157 = arith.cmpi slt, %add3A_154, %lt3A : vector<16xi32>
      %select_n3A_158 = arith.select %lt3A_157, %get3A_156, %add3A_105 : vector<16xi1>, vector<16xi32>
      %swap3A_159 = arith.constant 0 : index
      %swap3A_160 = tpu.vector_load %arg13[%swap3A_159] {strides = array<i32>} : memref<48xi32, #tpu.memory_space<vmem>>, vector<16xi32>,
      tpu.vector_store %arg13[%swap3A_159], %select_n3A_158 {strides = array<i32>} : memref<48xi32, #tpu.memory_space<vmem>>, vector<16xi32>,
      %add3A_161 = arith.constant 16 : i32
      %add3A_162 = vector.broadcast %add3A_161 : i32 to vector<16xi32>
      %add3A_163 = arith.addi %iota3A, %add3A_162 : vector<16xi32>
      %get3A_164 = arith.constant 16 : index
      %get3A_165 = tpu.vector_load %arg13[%get3A_164] {strides = array<i32>} : memref<48xi32, #tpu.memory_space<vmem>>, vector<16xi32>,
      %lt3A_166 = vector.broadcast %scan3A_117#0 : i32 to vector<16xi32>
      %lt3A_167 = arith.cmpi slt, %add3A_163, %lt3A_166 : vector<16xi32>
      %select_n3A_168 = arith.select %lt3A_167, %get3A_165, %add3A_105 : vector<16xi1>, vector<16xi32>
      %swap3A_169 = arith.constant 16 : index
      %swap3A_170 = tpu.vector_load %arg13[%swap3A_169] {strides = array<i32>} : memref<48xi32, #tpu.memory_space<vmem>>, vector<16xi32>,
      tpu.vector_store %arg13[%swap3A_169], %select_n3A_168 {strides = array<i32>} : memref<48xi32, #tpu.memory_space<vmem>>, vector<16xi32>,
      %add3A_171 = arith.constant 32 : i32
      %add3A_172 = vector.broadcast %add3A_171 : i32 to vector<16xi32>
      %add3A_173 = arith.addi %iota3A, %add3A_172 : vector<16xi32>
      %get3A_174 = arith.constant 32 : index
      %get3A_175 = tpu.vector_load %arg13[%get3A_174] {strides = array<i32>} : memref<48xi32, #tpu.memory_space<vmem>>, vector<16xi32>,
      %lt3A_176 = vector.broadcast %scan3A_117#0 : i32 to vector<16xi32>
      %lt3A_177 = arith.cmpi slt, %add3A_173, %lt3A_176 : vector<16xi32>
      %select_n3A_178 = arith.select %lt3A_177, %get3A_175, %add3A_105 : vector<16xi1>, vector<16xi32>
      %swap3A_179 = arith.constant 32 : index
      %swap3A_180 = tpu.vector_load %arg13[%swap3A_179] {strides = array<i32>} : memref<48xi32, #tpu.memory_space<vmem>>, vector<16xi32>,
      tpu.vector_store %arg13[%swap3A_179], %select_n3A_178 {strides = array<i32>} : memref<48xi32, #tpu.memory_space<vmem>>, vector<16xi32>,
      %dma_start3A = arith.constant 0 : i32
      %dma_start3A_181 = arith.constant 0 : i32
      %dma_start3A_182 = arith.constant 0 : i32
      %dma_start3A_183 = tpu.memref_slice %arg12[%dma_start3A, %dma_start3A_181, %dma_start3A_182] : memref<2x48x128xf32, #tpu.memory_space<vmem>> -> memref<1x48x128xf32, #tpu.memory_space<vmem>>
      %dma_start3A_184 = tpu.memref_squeeze %dma_start3A_183 : memref<1x48x128xf32, #tpu.memory_space<vmem>> -> memref<48x128xf32, #tpu.memory_space<vmem>>
      %dma_start3A_185 = arith.constant 0 : i32
      %dma_start3A_186 = arith.constant 0 : i32
      %dma_start3A_187 = tpu.memref_slice %arg4[%dma_start3A_185, %dma_start3A_186] : memref<16416x128xf32, #tpu.memory_space<hbm>> -> memref<16416x128xf32, #tpu.memory_space<hbm>>
      tpu.enqueue_indirect_dma source(%dma_start3A_184 : memref<48x128xf32, #tpu.memory_space<vmem>>) target(%dma_start3A_187 : memref<16416x128xf32, #tpu.memory_space<hbm>>) offsets(%arg13 : memref<48xi32, #tpu.memory_space<vmem>>) semaphore(%arg17 : memref<!tpu.dma_semaphore, #tpu.memory_space<semaphore_mem>>)
    } else {
    }
    %and3A_125 = arith.constant 1 : i32
    %and3A_126 = arith.andi %scan3A_117#1, %and3A_125 : i32
    %eq3A_127 = arith.constant 1 : i32
    %eq3A_128 = arith.cmpi eq, %and3A_126, %eq3A_127 : i32
    %convert_element_type3A_129 = arith.extui %eq3A_128 : i1 to i32
    %cond3A_130 = arith.constant 0 : i32
    %cond3A_131 = arith.cmpi ne, %convert_element_type3A_129, %cond3A_130 : i32
    scf.if %cond3A_131 {
      %add3A_152 = arith.constant 0 : i32
      %add3A_153 = vector.broadcast %add3A_152 : i32 to vector<16xi32>
      %add3A_154 = arith.addi %iota3A, %add3A_153 : vector<16xi32>
      %get3A_155 = arith.constant 0 : index
      %get3A_156 = tpu.vector_load %arg14[%get3A_155] {strides = array<i32>} : memref<48xi32, #tpu.memory_space<vmem>>, vector<16xi32>,
      %lt3A = vector.broadcast %scan3A_117#0 : i32 to vector<16xi32>
      %lt3A_157 = arith.cmpi slt, %add3A_154, %lt3A : vector<16xi32>
      %select_n3A_158 = arith.select %lt3A_157, %get3A_156, %add3A_105 : vector<16xi1>, vector<16xi32>
      %swap3A_159 = arith.constant 0 : index
      %swap3A_160 = tpu.vector_load %arg14[%swap3A_159] {strides = array<i32>} : memref<48xi32, #tpu.memory_space<vmem>>, vector<16xi32>,
      tpu.vector_store %arg14[%swap3A_159], %select_n3A_158 {strides = array<i32>} : memref<48xi32, #tpu.memory_space<vmem>>, vector<16xi32>,
      %add3A_161 = arith.constant 16 : i32
      %add3A_162 = vector.broadcast %add3A_161 : i32 to vector<16xi32>
      %add3A_163 = arith.addi %iota3A, %add3A_162 : vector<16xi32>
      %get3A_164 = arith.constant 16 : index
      %get3A_165 = tpu.vector_load %arg14[%get3A_164] {strides = array<i32>} : memref<48xi32, #tpu.memory_space<vmem>>, vector<16xi32>,
      %lt3A_166 = vector.broadcast %scan3A_117#0 : i32 to vector<16xi32>
      %lt3A_167 = arith.cmpi slt, %add3A_163, %lt3A_166 : vector<16xi32>
      %select_n3A_168 = arith.select %lt3A_167, %get3A_165, %add3A_105 : vector<16xi1>, vector<16xi32>
      %swap3A_169 = arith.constant 16 : index
      %swap3A_170 = tpu.vector_load %arg14[%swap3A_169] {strides = array<i32>} : memref<48xi32, #tpu.memory_space<vmem>>, vector<16xi32>,
      tpu.vector_store %arg14[%swap3A_169], %select_n3A_168 {strides = array<i32>} : memref<48xi32, #tpu.memory_space<vmem>>, vector<16xi32>,
      %add3A_171 = arith.constant 32 : i32
      %add3A_172 = vector.broadcast %add3A_171 : i32 to vector<16xi32>
      %add3A_173 = arith.addi %iota3A, %add3A_172 : vector<16xi32>
      %get3A_174 = arith.constant 32 : index
      %get3A_175 = tpu.vector_load %arg14[%get3A_174] {strides = array<i32>} : memref<48xi32, #tpu.memory_space<vmem>>, vector<16xi32>,
      %lt3A_176 = vector.broadcast %scan3A_117#0 : i32 to vector<16xi32>
      %lt3A_177 = arith.cmpi slt, %add3A_173, %lt3A_176 : vector<16xi32>
      %select_n3A_178 = arith.select %lt3A_177, %get3A_175, %add3A_105 : vector<16xi1>, vector<16xi32>
      %swap3A_179 = arith.constant 32 : index
      %swap3A_180 = tpu.vector_load %arg14[%swap3A_179] {strides = array<i32>} : memref<48xi32, #tpu.memory_space<vmem>>, vector<16xi32>,
      tpu.vector_store %arg14[%swap3A_179], %select_n3A_178 {strides = array<i32>} : memref<48xi32, #tpu.memory_space<vmem>>, vector<16xi32>,
      %dma_start3A = arith.constant 1 : i32
      %dma_start3A_181 = arith.constant 0 : i32
      %dma_start3A_182 = arith.constant 0 : i32
      %dma_start3A_183 = tpu.memref_slice %arg12[%dma_start3A, %dma_start3A_181, %dma_start3A_182] : memref<2x48x128xf32, #tpu.memory_space<vmem>> -> memref<1x48x128xf32, #tpu.memory_space<vmem>>
      %dma_start3A_184 = tpu.memref_squeeze %dma_start3A_183 : memref<1x48x128xf32, #tpu.memory_space<vmem>> -> memref<48x128xf32, #tpu.memory_space<vmem>>
      %dma_start3A_185 = arith.constant 0 : i32
      %dma_start3A_186 = arith.constant 0 : i32
      %dma_start3A_187 = tpu.memref_slice %arg4[%dma_start3A_185, %dma_start3A_186] : memref<16416x128xf32, #tpu.memory_space<hbm>> -> memref<16416x128xf32, #tpu.memory_space<hbm>>
      tpu.enqueue_indirect_dma source(%dma_start3A_184 : memref<48x128xf32, #tpu.memory_space<vmem>>) target(%dma_start3A_187 : memref<16416x128xf32, #tpu.memory_space<hbm>>) offsets(%arg14 : memref<48xi32, #tpu.memory_space<vmem>>) semaphore(%arg17 : memref<!tpu.dma_semaphore, #tpu.memory_space<semaphore_mem>>)
    } else {
    }
    %gt3A = arith.constant 0 : i32
    %gt3A_132 = arith.cmpi sgt, %scan3A_117#1, %gt3A : i32
    %convert_element_type3A_133 = arith.extui %gt3A_132 : i1 to i32
    %cond3A_134 = arith.constant 0 : i32
    %cond3A_135 = arith.cmpi ne, %convert_element_type3A_133, %cond3A_134 : i32
    scf.if %cond3A_135 {
      %dma_wait3A_152 = arith.constant 0 : i32
      %dma_wait3A_153 = arith.constant 0 : i32
      %dma_wait3A_154 = arith.constant 0 : i32
      %dma_wait3A_155 = tpu.memref_slice %arg12[%dma_wait3A_152, %dma_wait3A_153, %dma_wait3A_154] : memref<2x48x128xf32, #tpu.memory_space<vmem>> -> memref<1x48x128xf32, #tpu.memory_space<vmem>>
      %dma_wait3A_156 = tpu.memref_squeeze %dma_wait3A_155 : memref<1x48x128xf32, #tpu.memory_space<vmem>> -> memref<48x128xf32, #tpu.memory_space<vmem>>
      %dma_wait3A_157 = arith.constant 0 : i32
      %dma_wait3A_158 = arith.constant 0 : i32
      %dma_wait3A_159 = tpu.memref_slice %arg2[%dma_wait3A_157, %dma_wait3A_158] : memref<64x1000000xf32, #tpu.memory_space<hbm>> -> memref<48x128xf32, #tpu.memory_space<hbm>>
      %dma_wait3A_160 = arith.constant 0 : i32
      %dma_wait3A_161 = arith.constant 0 : i32
      %dma_wait3A_162 = tpu.memref_slice %arg12[%dma_wait3A_152, %dma_wait3A_160, %dma_wait3A_161] : memref<2x48x128xf32, #tpu.memory_space<vmem>> -> memref<1x48x128xf32, #tpu.memory_space<vmem>>
      %dma_wait3A_163 = tpu.memref_squeeze %dma_wait3A_162 : memref<1x48x128xf32, #tpu.memory_space<vmem>> -> memref<48x128xf32, #tpu.memory_space<vmem>>
      %dma_wait3A_164 = arith.constant 0 : i32
      %dma_wait3A_165 = arith.constant 0 : i32
      %dma_wait3A_166 = tpu.memref_slice %arg2[%dma_wait3A_164, %dma_wait3A_165] : memref<64x1000000xf32, #tpu.memory_space<hbm>> -> memref<48x128xf32, #tpu.memory_space<hbm>>
      tpu.wait_dma2 semaphore(%arg17 : memref<!tpu.dma_semaphore, #tpu.memory_space<semaphore_mem>>) src(%dma_wait3A_166 : memref<48x128xf32, #tpu.memory_space<hbm>>) dst(%dma_wait3A_163 : memref<48x128xf32, #tpu.memory_space<vmem>>)
    } else {
    }
    %add3A_136 = arith.constant 1 : i32
    %add3A_137 = arith.addi %scan3A_117#1, %add3A_136 : i32
    %dma_wait3A = arith.constant 0 : i32
    %dma_wait3A_138 = arith.constant 0 : i32
    %dma_wait3A_139 = arith.constant 0 : i32
    %dma_wait3A_140 = tpu.memref_slice %arg12[%dma_wait3A, %dma_wait3A_138, %dma_wait3A_139] : memref<2x48x128xf32, #tpu.memory_space<vmem>> -> memref<1x48x128xf32, #tpu.memory_space<vmem>>
    %dma_wait3A_141 = tpu.memref_squeeze %dma_wait3A_140 : memref<1x48x128xf32, #tpu.memory_space<vmem>> -> memref<48x128xf32, #tpu.memory_space<vmem>>
    %dma_wait3A_142 = arith.constant 0 : i32
    %dma_wait3A_143 = arith.constant 0 : i32
    %dma_wait3A_144 = tpu.memref_slice %arg2[%dma_wait3A_142, %dma_wait3A_143] : memref<64x1000000xf32, #tpu.memory_space<hbm>> -> memref<48x128xf32, #tpu.memory_space<hbm>>
    %dma_wait3A_145 = arith.constant 0 : i32
    %dma_wait3A_146 = arith.constant 0 : i32
    %dma_wait3A_147 = tpu.memref_slice %arg12[%dma_wait3A, %dma_wait3A_145, %dma_wait3A_146] : memref<2x48x128xf32, #tpu.memory_space<vmem>> -> memref<1x48x128xf32, #tpu.memory_space<vmem>>
    %dma_wait3A_148 = tpu.memref_squeeze %dma_wait3A_147 : memref<1x48x128xf32, #tpu.memory_space<vmem>> -> memref<48x128xf32, #tpu.memory_space<vmem>>
    %dma_wait3A_149 = arith.constant 0 : i32
    %dma_wait3A_150 = arith.constant 0 : i32
    %dma_wait3A_151 = tpu.memref_slice %arg2[%dma_wait3A_149, %dma_wait3A_150] : memref<64x1000000xf32, #tpu.memory_space<hbm>> -> memref<48x128xf32, #tpu.memory_space<hbm>>
    tpu.wait_dma2 semaphore(%arg17 : memref<!tpu.dma_semaphore, #tpu.memory_space<semaphore_mem>>) src(%dma_wait3A_151 : memref<48x128xf32, #tpu.memory_space<hbm>>) dst(%dma_wait3A_148 : memref<48x128xf32, #tpu.memory_space<vmem>>)
    return
  }
}

</mosaic_0001>

<sc_bundles>
// kernel: kernel.3.cloned.1.call-start
scs
__scs_entry_jumppad:
0x0: {  	(pc) =	sbr.rel $0x88, $3  }
0x1: {  	(tag) =	ssettag $0x0;
	lr =	simm.s32 $0x1  }
0x2: {  	[smem:$0x3F9F] =	sst lr;
	_ =	strace $0xD0000000  }
0x3: {  	_ = 	snop  }
0x4: {  	_ = 	snop  }
0x5: {  	_ = 	snop  }
0x6: {  	_ = 	snop  }
0x7: {  	_ = 	snop  }
__scs_overlays_trampoline_lowered:
0x8: {  	[smem:$0x3FAE] =	sst s0  }
0x9: {  	[smem:$0x3FAF] =	sst s1  }
0xa: {  	[smem:$0x3FB0] =	sst s2  }
0xb: {  	[smem:$0x3FB1] =	sst s3  }
0xc: {  	[smem:$0x3FB2] =	sst s4  }
0xd: {  	[smem:$0x3FB3] =	sst s5  }
0xe: {  	[smem:$0x3FB4] =	sst s6  }
0xf: {  	[smem:$0x3FB5] =	sst s7  }
0x10: {  	[smem:$0x3FB6] =	sst s8  }
0x11: {  	[smem:$0x3FB7] =	sst s9;
	s0 =	simm.s32 @!p0 $0x0  }
0x12: {  	s1 =	sld [smem:$0x3F9D];
	s0 =	simm.s32 @p0 $0x1  }
0x13: {  	[smem:$0x3FB8] =	sst s0;
	s0 =	simm.s32 @!p1 $0x0  }
0x14: {  	s2 =	sld [smem:$0x3F9C];
	s0 =	simm.s32 @p1 $0x1  }
0x15: {  	[smem:$0x3FB9] =	sst s0;
	s0 =	simm.s32 @!p2 $0x0  }
0x16: {  	s3 =	sld [smem:$0x3FDB];
	s0 =	simm.s32 @p2 $0x1  }
0x17: {  	s4 =	simm.s32 $0x1BF5;
	[smem:$0x3FBB] =	sst s0  }
0x18: {  	s0 =	sld [smem:$0x3F9E];
	_ =	swait.ge [sflag:s4], $0x0  }
0x19: {  	s7 =	sld [smem:$0x3F9F]  }
0x1a: {  	s8 =	sadd.s32 $0xFFFFE003, lr  }
0x1b: {  	s9 =	sadd.s32 $0xFFFFFEF7, lr;
	s5 =	simm.s32 $0xFFFFFFFF;
	p2 =	slt.u32 s8, $0xFFFFF086  }
0x1c: {  	p1 =	slt.u32 s9, $0xF7A;
	s5 =	simm.s32 @!p2 $0x0  }
0x1d: {  	s5 =	simm.s32 @p1 $0x1;
	p0 =	seq.s32 s7, s2  }
0x1e: {  	s7 =	smul.u32 @!p0 $0xF7A, s2;
	p2 =	seq.s32 @!p0 s5, $0x0  }
0x1f: {  	s9 =	smul.u32 $0xF7A, s1;
	s8 =	simm.s32 @!p0 $0x1BF5;
	p2 =	por !p2, p0  }
0x20: {  	[sflag:s8] =	ssyncset.s32 @!p0 $0xFFFFF086;
	s6 =	sadd.s32 @!p0 s3, s7;
	s7 =	simm.s32 @!p0 $0x108  }
0x21: {  	s3 =	sadd.s32 s3, s9;
	s6 =	sadd.s32 @!p0 $0x88, s6;
	s7 =	simm.s32 @p2 $0x1082  }
0x22: {  	[simem:s7], [sflag:s8] =	dma.local @!p0 [hbm:s6], $0xF7A  }
0x23: {  	s9 =	sor.u32 $0xD0000000, s2;
	s6 =	simm.s32 $0x108;
	_ =	swait.ge @!p0 [sflag:s8], $0x0  }
0x24: {  	s3 =	sadd.s32 $0x88, s3;
	s6 =	simm.s32 @!p1 $0x1082;
	[sflag:s4] =	ssyncset.s32 $0xFFFFF086  }
0x25: {  	[simem:s6], [sflag:s4] =	dma.local [hbm:s3], $0xF7A  }
0x26: {  	[smem:$0x3F9F] =	sst s1;
	(tag) =	ssettag s2;
	_ =	strace s9  }
0x27: {  	s1 =	sld [smem:$0x3FAF]  }
0x28: {  	s2 =	sld [smem:$0x3FB0]  }
0x29: {  	s4 =	sld [smem:$0x3FB2]  }
0x2a: {  	p0 =	seq.s32 s5, $0x0;
	s5 =	sld [smem:$0x3FB3]  }
0x2b: {  	s6 =	sld [smem:$0x3FB4]  }
0x2c: {  	s7 =	sld [smem:$0x3FB5]  }
0x2d: {  	s3 =	simm.s32 $0x108;
	s8 =	sld [smem:$0x3FB6]  }
0x2e: {  	s3 =	simm.s32 @!p0 $0x1082;
	s9 =	sld [smem:$0x3FB7]  }
0x2f: {  	lr =	sadd.s32 s0, s3;
	s0 =	sld [smem:$0x3FAE]  }
0x30: {  	s3 =	sld [smem:$0x3FB1]  }
0x31: {  	[smem:$0x3FBA] =	sst s10  }
0x32: {  	s10 =	sld [smem:$0x3FB8];
	_ =	sdelay $0x3  }
0x33: {  	p0 =	seq.s32 s10, $0x1;
	s10 =	sld [smem:$0x3FBA];
	_ =	sdelay $0x3  }
0x34: {  	[smem:$0x3FBA] =	sst s10  }
0x35: {  	s10 =	sld [smem:$0x3FB9];
	_ =	sdelay $0x3  }
0x36: {  	p1 =	seq.s32 s10, $0x1;
	s10 =	sld [smem:$0x3FBA];
	_ =	sdelay $0x3  }
0x37: {  	[smem:$0x3FBA] =	sst s10  }
0x38: {  	s10 =	sld [smem:$0x3FBB]  }
0x39: {  	_ = 	snop;
	(pc) =	sbr.ind lr, $3  }
0x3a: {  	_ = 	snop  }
0x3b: {  	_ = 	snop  }
0x3c: {  	p2 =	seq.s32 s10, $0x1;
	s10 =	sld [smem:$0x3FBA]  }
0x3d: {  	_ =	shalt  }
0x3e: {  	_ =	shalt  }
0x3f: {  	_ =	shalt  }
0x40: {  	_ =	shalt  }
0x41: {  	_ =	shalt  }
0x42: {  	_ =	shalt  }
0x43: {  	_ =	shalt  }
0x44: {  	_ =	shalt  }
0x45: {  	_ =	shalt  }
0x46: {  	_ =	shalt  }
0x47: {  	_ =	shalt  }
0x48: {  	_ =	shalt  }
0x49: {  	_ =	shalt  }
0x4a: {  	_ =	shalt  }
0x4b: {  	_ =	shalt  }
0x4c: {  	_ =	shalt  }
0x4d: {  	_ =	shalt  }
0x4e: {  	_ =	shalt  }
0x4f: {  	_ =	shalt  }
0x50: {  	_ =	shalt  }
0x51: {  	_ =	shalt  }
0x52: {  	_ =	shalt  }
0x53: {  	_ =	shalt  }
0x54: {  	_ =	shalt  }
0x55: {  	_ =	shalt  }
0x56: {  	_ =	shalt  }
0x57: {  	_ =	shalt  }
0x58: {  	_ =	shalt  }
0x59: {  	_ =	shalt  }
0x5a: {  	_ =	shalt  }
0x5b: {  	_ =	shalt  }
0x5c: {  	_ =	shalt  }
0x5d: {  	_ =	shalt  }
0x5e: {  	_ =	shalt  }
0x5f: {  	_ =	shalt  }
0x60: {  	_ =	shalt  }
0x61: {  	_ =	shalt  }
0x62: {  	_ =	shalt  }
0x63: {  	_ =	shalt  }
0x64: {  	_ =	shalt  }
0x65: {  	_ =	shalt  }
0x66: {  	_ =	shalt  }
0x67: {  	_ =	shalt  }
0x68: {  	_ =	shalt  }
0x69: {  	_ =	shalt  }
0x6a: {  	_ =	shalt  }
0x6b: {  	_ =	shalt  }
0x6c: {  	_ =	shalt  }
0x6d: {  	_ =	shalt  }
0x6e: {  	_ =	shalt  }
0x6f: {  	_ =	shalt  }
0x70: {  	_ =	shalt  }
0x71: {  	_ =	shalt  }
0x72: {  	_ =	shalt  }
0x73: {  	_ =	shalt  }
0x74: {  	_ =	shalt  }
0x75: {  	_ =	shalt  }
0x76: {  	_ =	shalt  }
0x77: {  	_ =	shalt  }
0x78: {  	_ =	shalt  }
0x79: {  	_ =	shalt  }
0x7a: {  	_ =	shalt  }
0x7b: {  	_ =	shalt  }
0x7c: {  	_ =	shalt  }
0x7d: {  	_ =	shalt  }
0x7e: {  	_ =	shalt  }
0x7f: {  	_ =	shalt  }
0x80: {  	_ =	shalt  }
0x81: {  	_ =	shalt  }
0x82: {  	_ =	shalt  }
0x83: {  	_ =	shalt  }
0x84: {  	_ =	shalt  }
0x85: {  	_ =	shalt  }
0x86: {  	_ =	shalt  }
0x87: {  	_ =	shalt  }
.Lfunc_end0:
.L_simem_size_0:
called_computation_lowered:
.L_overlay_start_0:
0x88: {  	s2 =	sld [smem:$0x3FD9]  }
0x89: {  	s3 =	sld [smem:$0x3FFE];
	_ =	sdelay $0x1  }
0x8a: {  	s1 =	srdreg.scid  }
0x8b: {  	s0 =	sand.u32 $0x1, s1  }
0x8c: {  	s17 =	sshll.u32 s0, $0xA;
	s2 =	sadd.s32 s3, s2  }
0x8d: {  	s2 =	sadd.s32 s2, s17  }
0x8e: {  	[smem:$0x3FC6] =	sst s2  }
0x8f: {  	_ = 	snop  }
0x90: {  	s2 =	sld [smem:$0x3FC9]  }
0x91: {  	s18 =	sld [smem:$0x3FC8];
	(tm) =	ssettm $0x1  }
0x92: {  	s4 =	sld [smem:$0x3FFB];
	_ =	sdelay $0x3  }
0x93: {  	_ =	strace s4  }
0x94: {  	s4 =	sld [smem:$0x3FFC];
	_ =	sdelay $0x3  }
0x95: {  	_ =	strace s4  }
0x96: {  	s4 =	sld [smem:$0x3FFD];
	_ =	sdelay $0x3  }
0x97: {  	_ =	strace s4  }
0x98: {  	_ =	strace $0x8FFFFFFF  }
0x99: {  	s19 =	sld [smem:$0x3FDB];
	_ =	sdelay $0x1  }
0x9a: {  	s5 =	simm.s32 $_scs_section_size  }
0x9b: {  	s6 =	simm.s32 $_size__tile_overlayer_lowered;
	s7 =	simm.s32 $_tile_overlayer_lowered  }
0x9c: {  	s22 =	simm.s32 $0x1BFF;
	s21 =	sshll.u32 s7, $0x1;
	s4 =	sadd.s32 s5, s19  }
0x9d: {  	s8 =	simm.s32 $0x0;
	s20 =	sshll.u32 s6, $0x1;
	s6 =	sadd.s32 s21, s4  }
0x9e: {  	[timem:s8], [sflag:s22] =	dma.local [hbm:s6], s20  }
0x9f: {  	_ =	swait.ge [sflag:s22], s20  }
0xa0: {  	s5 =	ssub.s32 $0x0, s20;
	[sflag:s22] =	ssyncset.done $0x0  }
0xa1: {  	[sflag:s22] =	ssyncadd.s32 s5;
	_ =	sdelay $0x1  }
0xa2: {  	s23 =	simm.s32 $0x1B8B  }
0xa3: {  	_ =	swait.ge [sflag:s23], $0x1  }
0xa4: {  	[sflag:s23] =	ssyncset.done $0x0  }
0xa5: {  	s25 =	simm.s32 $0x1B8E;
	s24 =	sld [smem:$0x3FFE];
	[sflag:s23] =	ssyncadd.s32 $0xFFFFFFFF  }
0xa6: {  	s26 =	simm.s32 $execute0_lowered;
	[smem:$0x3FD2] =	sst s25  }
0xa7: {  	s6 =	sshll.u32 s26, $0x1;
	_ =	strace $0x80000046;
	[dreg:$0x1] =	wrdreg $0xFFFFFFFF  }
0xa8: {  	s28 =	simm.s32 $_size_execute0_lowered;
	s4 =	sadd.s32 s4, s6;
	[dreg:$0x0] =	wrdreg $0x0  }
0xa9: {  	s6 =	sshll.u32 s28, $0x1;
	[dreg:$0x2] =	wrdreg s4  }
0xaa: {  	[dreg:$0x3] =	wrdreg s6  }
0xab: {  	[dreg:$0x4] =	wrdreg $0xC0  }
0xac: {  	_ =	task [dreg:s8], $0x5FFFF  }
0xad: {  	[dreg:$0x1] =	wrdreg $0xFFFFFFFF  }
0xae: {  	[dreg:$0x0] =	wrdreg $0x60  }
0xaf: {  	[dreg:$0x2] =	wrdreg s2  }
0xb0: {  	[dreg:$0x3] =	wrdreg s18  }
0xb1: {  	[dreg:$0x4] =	wrdreg s24  }
0xb2: {  	[dreg:$0x5] =	wrdreg $0x9  }
0xb3: {  	_ =	task.clear_ibuf [dreg:s8], $0x6FFFF;
	_ =	strace $0x90000046  }
0xb4: {  	s29 =	simm.s32 $0x9;
	_ =	strace $0x80000048  }
0xb5: {  	_ =	swait.ge [sflag:s29], $0x1  }
0xb6: {  	[sflag:s29] =	ssyncadd.s32 $0xFFFFFFFF  }
0xb7: {  	_ =	strace $0x90000048  }
0xb8: {  	_ =	sfence  }
0xb9: {  	s30 =	sld [smem:$0x0];
	_ =	sdelay $0x2  }
0xba: {  	s31 =	sshll.u32 s1, $0xD;
	s1 =	sshrl.u32 s1, $0x2  }
0xbb: {  	s3 =	sand.u32 $0x4000, s31;
	s1 =	sadd.s32 s1, s30  }
0xbc: {  	s0 =	sor.u32 s3, s0;
	s1 =	sshll.u32 s1, $0x11  }
0xbd: {  	s0 =	sor.u32 s1, s0  }
0xbe: {  	s0 =	sadd.s32 $0x8F2B, s0  }
0xbf: {  	[sflag:s0] =	ssyncadd.remote.s32 $0x1  }
0xc0: {  	_ =	sfence.sel $0xFFFF  }
0xc1: {  	[dreg:$0x0] =	wrdreg $0xFFFFFFFF;
	(pc) =	sbr.abs _section_cstart, $3  }
0xc2: {  	[dreg:$0x1] =	wrdreg $0xFFFFFFFF  }
0xc3: {  	_ =	task.clear_ibuf [dreg:s8], $0x2FFFF;
	_ =	strace $0x9FFFFFFF  }
0xc4: {  	(tm) =	ssettm $0x7FFFFFFF  }
0xc5: {  	_ =	shalt  }
tec
execute0_lowered:
.L_overlay_start_1:
0x0: {  	(tag) =	ssettag $0x1  }
0x1: {  	v3 =	vimm.s32 $0x0;
	v4 =	vimm.s32 $0x1  }
0x2: {  	v5 =	vimm.s32 $0xF;
	v6 =	vimm.s32 $0x1380;
	vm13 =	vcmask $0x300  }
0x3: {  	v7 =	vimm.s32 $0x3380;
	vm14 =	vcmask $0x704;
	vm12 =	vcmask $0xB08  }
0x4: {  	vm11 =	vcmask $0xF0C;
	vm10 =	vcmask $0x1310;
	vm9 =	vcmask $0x1714  }
0x5: {  	vm8 =	vcmask $0x1B18;
	vm7 =	vcmask $0x1F1C;
	vm6 =	vcmask $0x2320  }
0x6: {  	vm5 =	vcmask $0x2724;
	vm4 =	vcmask $0x2B28;
	vm3 =	vcmask $0x2F2C  }
0x7: {  	vm2 =	vcmask $0x3330;
	vm1 =	vcmask $0x3734;
	vm0 =	vcmask $0x3B38  }
0x8: {  	v10 =	vimm.s32 $0x7380;
	v11 =	vimm.s32 $0x9380;
	v12 =	vimm.s32 $0xB380  }
0x9: {  	v13 =	vimm.s32 $0xD380;
	v14 =	vimm.s32 $0xF380;
	v6 =	vsel vm13, $0x0, v6  }
0xa: {  	v7 =	vsel vm13, $0x2000, v7;
	v10 =	vsel vm13, $0x6000, v10;
	v11 =	vsel vm13, $0x8000, v11  }
0xb: {  	s0 =	srdreg.scid;
	s1 =	stileid.u32;
	v12 =	vsel vm13, $0xA000, v12;
	v13 =	vsel vm13, $0xC000, v13;
	v14 =	vsel vm13, $0xE000, v14  }
0xc: {  	s6 =	sand.u32 $0x1, s0;
	s28 =	sshll.u32 s1, $0x1;
	v6 =	vsel vm14, $0x80, v6;
	v7 =	vsel vm14, $0x2080, v7;
	v10 =	vsel vm14, $0x6080, v10  }
0xd: {  	s9 =	sor.u32 s6, s28;
	v11 =	vsel vm14, $0x8080, v11;
	v12 =	vsel vm14, $0xA080, v12;
	v13 =	vsel vm14, $0xC080, v13  }
0xe: {  	v14 =	vsel vm14, $0xE080, v14;
	v0 =	vmov s9;
	v6 =	vsel vm12, $0x100, v6  }
0xf: {  	v7 =	vsel vm12, $0x2100, v7;
	v10 =	vsel vm12, $0x6100, v10;
	v11 =	vsel vm12, $0x8100, v11  }
0x10: {  	v12 =	vsel vm12, $0xA100, v12;
	v13 =	vsel vm12, $0xC100, v13;
	v14 =	vsel vm12, $0xE100, v14  }
0x11: {  	s1 =	smul.u32 $0x7A00, s9;
	v2 =	vor.u32 $0x4000, v0;
	v6 =	vsel vm11, $0x180, v6;
	v7 =	vsel vm11, $0x2180, v7  }
0x12: {  	v10 =	vsel vm11, $0x6180, v10;
	v11 =	vsel vm11, $0x8180, v11;
	v12 =	vsel vm11, $0xA180, v12  }
0x13: {  	v13 =	vsel vm11, $0xC180, v13;
	v14 =	vsel vm11, $0xE180, v14;
	v0 =	vmov s1  }
0x14: {  	v2 =	vbroadcast v2, $0x0;
	v6 =	vsel vm10, $0x200, v6;
	v7 =	vsel vm10, $0x2200, v7  }
0x15: {  	v10 =	vsel vm10, $0x6200, v10;
	v11 =	vsel vm10, $0x8200, v11;
	v12 =	vsel vm10, $0xA200, v12  }
0x16: {  	v13 =	vsel vm10, $0xC200, v13;
	v14 =	vsel vm10, $0xE200, v14;
	v6 =	vsel vm9, $0x280, v6  }
0x17: {  	p0 =	seq.s32 s9, $0x1F;
	s0 =	sadd.s32 $0x7A00, s1;
	v7 =	vsel vm9, $0x2280, v7;
	v10 =	vsel vm9, $0x6280, v10;
	v11 =	vsel vm9, $0x8280, v11  }
0x18: {  	s0 =	simm.s32 @p0 $0x40000000;
	v12 =	vsel vm9, $0xA280, v12;
	v13 =	vsel vm9, $0xC280, v13;
	v14 =	vsel vm9, $0xE280, v14  }
0x19: {  	v1 =	vmov s0;
	v6 =	vsel vm8, $0x300, v6;
	v7 =	vsel vm8, $0x2300, v7  }
0x1a: {  	v10 =	vsel vm8, $0x6300, v10;
	v11 =	vsel vm8, $0x8300, v11;
	v12 =	vsel vm8, $0xA300, v12  }
0x1b: {  	v13 =	vsel vm8, $0xC300, v13;
	v14 =	vsel vm8, $0xE300, v14;
	v6 =	vsel vm7, $0x380, v6  }
0x1c: {  	v7 =	vsel vm7, $0x2380, v7;
	v10 =	vsel vm7, $0x6380, v10;
	v11 =	vsel vm7, $0x8380, v11  }
0x1d: {  	v12 =	vsel vm7, $0xA380, v12;
	v13 =	vsel vm7, $0xC380, v13;
	v14 =	vsel vm7, $0xE380, v14  }
0x1e: {  	v6 =	vsel vm6, $0x1000, v6;
	v7 =	vsel vm6, $0x3000, v7;
	v10 =	vsel vm6, $0x7000, v10  }
0x1f: {  	v11 =	vsel vm6, $0x9000, v11;
	v6 =	vsel vm5, $0x1080, v6;
	v7 =	vsel vm5, $0x3080, v7  }
0x20: {  	v12 =	vsel vm6, $0xB000, v12;
	v6 =	vsel vm4, $0x1100, v6;
	v7 =	vsel vm4, $0x3100, v7  }
0x21: {  	v13 =	vsel vm6, $0xD000, v13;
	v6 =	vsel vm3, $0x1180, v6;
	v7 =	vsel vm3, $0x3180, v7  }
0x22: {  	v14 =	vsel vm6, $0xF000, v14;
	v6 =	vsel vm2, $0x1200, v6;
	v7 =	vsel vm2, $0x3200, v7  }
0x23: {  	v10 =	vsel vm5, $0x7080, v10;
	v8 =	vsel vm1, $0x1280, v6;
	v9 =	vsel vm1, $0x3280, v7  }
0x24: {  	v7 =	vsel vm0, $0x1300, v8;
	v8 =	vsel vm0, $0x3300, v9;
	v9 =	vimm.s32 $0x5380  }
0x25: {  	v11 =	vsel vm5, $0x9080, v11;
	v12 =	vsel vm5, $0xB080, v12;
	v9 =	vsel vm13, $0x4000, v9  }
0x26: {  	v13 =	vsel vm5, $0xD080, v13;
	v14 =	vsel vm5, $0xF080, v14;
	v9 =	vsel vm14, $0x4080, v9  }
0x27: {  	v10 =	vsel vm4, $0x7100, v10;
	v11 =	vsel vm4, $0x9100, v11;
	v9 =	vsel vm12, $0x4100, v9  }
0x28: {  	v12 =	vsel vm4, $0xB100, v12;
	v13 =	vsel vm4, $0xD100, v13;
	v9 =	vsel vm11, $0x4180, v9  }
0x29: {  	v14 =	vsel vm4, $0xF100, v14;
	v10 =	vsel vm3, $0x7180, v10;
	v9 =	vsel vm10, $0x4200, v9  }
0x2a: {  	s2 =	rddreg [dreg:$0x0];
	v11 =	vsel vm3, $0x9180, v11;
	v12 =	vsel vm3, $0xB180, v12;
	v9 =	vsel vm9, $0x4280, v9  }
0x2b: {  	s29 =	rddreg [dreg:$0x2];
	s3 =	simm.s32 $0x0;
	s11 =	simm.s32 $0xC100;
	v13 =	vsel vm3, $0xD180, v13;
	v14 =	vsel vm3, $0xF180, v14;
	v9 =	vsel vm8, $0x4300, v9  }
0x2c: {  	s12 =	simm.s32 $0xC200;
	s13 =	simm.s32 $0x4000;
	s14 =	simm.s32 $0x4;
	v10 =	vsel vm2, $0x7200, v10;
	v11 =	vsel vm2, $0x9200, v11;
	v9 =	vsel vm7, $0x4380, v9  }
0x2d: {  	s15 =	simm.s32 $0x8080;
	s18 =	simm.s32 $0xC280;
	s19 =	simm.s32 $0x1F280;
	v12 =	vsel vm2, $0xB200, v12;
	v13 =	vsel vm2, $0xD200, v13;
	v9 =	vsel vm6, $0x5000, v9  }
0x2e: {  	s20 =	simm.s32 $0x30;
	s21 =	simm.s32 $0x1C280;
	s22 =	simm.s32 $0x1F300;
	v14 =	vsel vm2, $0xF200, v14;
	v6 =	vlaneseq.u32;
	v9 =	vsel vm5, $0x5080, v9  }
.Ltmp0:
0x2f: {  	s23 =	simm.s32 $0x1DA80;
	s24 =	simm.s32 $0x3;
	v10 =	vsel vm1, $0x7280, v10;
	v11 =	vsel vm1, $0x9280, v11;
	v9 =	vsel vm4, $0x5100, v9;
	(pc) =	sbr.rel .LBB2_1-.Ltmp0, $4  }
0x30: {  	s25 =	simm.s32 $0x0;
	[smem:$0x7FF] =	sst s3;
	s30 =	ssub.s32 $0x2, s6;
	v12 =	vsel vm1, $0xB280, v12;
	v13 =	vsel vm1, $0xD280, v13;
	v9 =	vsel vm3, $0x5180, v9  }
0x31: {  	s7 =	sadd.s32 $0x400, s29;
	_ =	strace $0x80000047;
	s4 =	sshrl.u32 s30, $0x1;
	v14 =	vsel vm1, $0xF280, v14;
	v10 =	vsel vm0, $0x7300, v10;
	v9 =	vsel vm2, $0x5200, v9  }
0x32: {  	s6 =	simm.s32 $0x3F;
	s9 =	smul.u32 $0x3D000, s9;
	s31 =	ssub.s32 s30, s4;
	v11 =	vsel vm0, $0x9300, v11;
	v12 =	vsel vm0, $0xB300, v12;
	v9 =	vsel vm1, $0x5280, v9  }
0x33: {  	s6 =	simm.s32 @!p0 $0x3D;
	s8 =	sadd.s32 s2, s1;
	s10 =	smax.u32 s31, $0x1;
	v13 =	vsel vm0, $0xD300, v13;
	v14 =	vsel vm0, $0xF300, v14;
	v9 =	vsel vm0, $0x5300, v9  }
.LBB2_29:
0x34: {  	s0 =	sand.u32 $0x1, s26  }
0x35: {  	p0 =	seq.s32 s0, $0x1  }
0x36: {  	v15 =	vld @p0 [tilespmem:$0x1F300]  }
0x37: {  	v16 =	vld @p0 [tilespmem:$0x1F310]  }
0x38: {  	v17 =	vld @p0 [tilespmem:$0x1F320]  }
0x39: {  	v18 =	vmov s29;
	v19 =	vlaneseq.u32 @p0  }
0x3a: {  	v20 =	vor.u32 @p0 $0x10, v19;
	vm0 =	vgt.s32 @p0 v18, v19  }
0x3b: {  	v19 =	vor.u32 @p0 $0x20, v19;
	vm1 =	vgt.s32 @p0 v18, v20;
	v15 =	vsel @p0 vm0, v15, v2  }
0x3c: {  	vm0 =	vgt.s32 @p0 v18, v19;
	[tilespmem:$0x1F300] =	vst @p0 v15;
	v15 =	vsel @p0 vm1, v16, v2  }
0x3d: {  	[tilespmem:$0x1F310] =	vst @p0 v15;
	v15 =	vsel @p0 vm0, v17, v2  }
0x3e: {  	s0 =	simm.s32 @p0 $0x30;
	s3 =	simm.s32 @p0 $0x1F300;
	s4 =	simm.s32 @p0 $0x1DA80;
	[tilespmem:$0x1F320] =	vst @p0 v15  }
0x3f: {  	[hbm4b:s7+s0] =	stream.indirect.scatter @p0 [tilespmem:s4], [sflag:$0x3], $0x80, s3, s0, $0xb8;
	[tilespmem:$0x1F380] =	vst v63  }
0x40: {  	v15 =	vld @!p0 [tilespmem:$0x1F280]  }
0x41: {  	v16 =	vld @!p0 [tilespmem:$0x1F290]  }
0x42: {  	v17 =	vld @!p0 [tilespmem:$0x1F2A0]  }
0x43: {  	v19 =	vlaneseq.u32 @!p0  }
0x44: {  	v20 =	vor.u32 @!p0 $0x10, v19;
	vm0 =	vgt.s32 @!p0 v18, v19  }
0x45: {  	vm1 =	vgt.s32 @!p0 v18, v20;
	v19 =	vor.u32 @!p0 $0x20, v19;
	v15 =	vsel @!p0 vm0, v15, v2  }
0x46: {  	vm0 =	vgt.s32 @!p0 v18, v19;
	[tilespmem:$0x1F280] =	vst @!p0 v15;
	v15 =	vsel @!p0 vm1, v16, v2  }
0x47: {  	[tilespmem:$0x1F290] =	vst @!p0 v15;
	v15 =	vsel @!p0 vm0, v17, v2  }
0x48: {  	s0 =	simm.s32 @!p0 $0x30;
	s3 =	simm.s32 @!p0 $0x1F280;
	s4 =	simm.s32 @!p0 $0x1C280;
	[tilespmem:$0x1F2A0] =	vst @!p0 v15  }
0x49: {  	[hbm4b:s7+s0] =	stream.indirect.scatter @!p0 [tilespmem:s4], [sflag:$0x3], $0x80, s3, s0, $0xb8;
	[tilespmem:$0x1F380] =	vst v63  }
0x4a: {  	p0 =	slt.s32 s26, $0x1  }
0x4b: {  	s0 =	simm.s32 @!p0 $0x3  }
0x4c: {  	_ =	swait.ge @!p0 [sflag:s0], $0x1800  }
0x4d: {  	s25 =	sadd.s32 $0x1, s25;
	[sflag:s0] =	ssyncset.done @!p0 $0x0  }
0x4e: {  	[sflag:s0] =	ssyncadd.s32 @!p0 $0xFFFFE800;
	p0 =	sne.s32 s25, s10  }
.Ltmp1:
0x4f: {  	_ = 	snop;
	(pc) =	sbr.rel @!p0 .LBB2_30-.Ltmp1, $4  }
0x50: {  	_ = 	snop  }
0x51: {  	_ =	swait.ge [sflag:s24], $0x1800  }
0x52: {  	[sflag:s24] =	ssyncset.done $0x0  }
0x53: {  	[sflag:s24] =	ssyncadd.s32 $0xFFFFE800  }
.LBB2_1:
0x54: {  	s0 =	rddreg [dreg:$0x1];
	s3 =	simm.s32 $0x0  }
0x55: {  	[tilespmem:s3], [sflag:$0x4] =	stream.linear.gather [hbm4b:s0+s3], $0x4000, $0x38;
	[tilespmem:$0x1F380] =	vst v63  }
0x56: {  	_ =	swait.ge [sflag:s14], $0x4000  }
0x57: {  	[sflag:s14] =	ssyncset.done $0x0  }
0x58: {  	[sflag:s14] =	ssyncadd.s32 $0xFFFFC000  }
0x59: {  	[tilespmem:$0xC100] =	vst v3  }
0x5a: {  	[tilespmem:$0xC110] =	vst v3  }
0x5b: {  	[tilespmem:$0xC120] =	vst v3  }
0x5c: {  	s3 =	simm.s32 $0x0;
	s0 =	simm.s32 $0x40;
	[tilespmem:$0xC130] =	vst v3  }
.LBB2_2:
0x5d: {  	p0 =	sne.s32 s0, $0xFFC0;
	v15 =	vld [tilespmem:s3+$0x0];
	_ =	sdelay $0x4  }
0x5e: {  	vm0 =	vge.s32 v15, v0;
	vm1 =	vlt.s32 v15, v1;
	v15 =	vsub.s32 v15, v0  }
0x5f: {  	vm0 =	vmand vm0, vm1;
	v15 =	vshra.s32 v15, $0x9  }
0x60: {  	v15 =	vnsel vm0, $0x3F, v15  }
.Ltmp2:
0x61: {  	(pc) =	sbr.rel @p0 .LBB2_2-.Ltmp2, $2  }
0x62: {  	_ =	sdelay $0x2  }
0x63: {  	s3 =	sshra.s32 s0, $0x2;
	s0 =	sadd.s32 $0x40, s0;
	[tilespmem:v15+s11+$0x0] =	vst.idx.add.s32.msk vm0, v4  }
0x64: {  	v15 =	vld [tilespmem:s3+$0x0];
	_ =	sdelay $0x4  }
0x65: {  	vm0 =	vge.s32 v15, v0;
	vm1 =	vlt.s32 v15, v1;
	v15 =	vsub.s32 v15, v0  }
0x66: {  	vm0 =	vmand vm0, vm1;
	v15 =	vshra.s32 v15, $0x9  }
0x67: {  	v15 =	vnsel vm0, $0x3F, v15;
	_ =	sdelay $0x4  }
0x68: {  	[tilespmem:v15+s11+$0x0] =	vst.idx.add.s32.msk vm0, v4  }
0x69: {  	v15 =	vld [tilespmem:$0xC100]  }
0x6a: {  	v16 =	vld [tilespmem:$0xC110]  }
0x6b: {  	v17 =	vld [tilespmem:$0xC120];
	_ =	sdelay $0x2  }
0x6c: {  	(xrf0) =	vadd.scan.msk.s32 $0xffff, v15  }
0x6d: {  	v18 =	vld [tilespmem:$0xC130];
	(xrf0) =	vadd.scan.msk.s32 $0xffff, v16  }
0x6e: {  	(xrf0) =	vadd.scan.msk.s32 $0xffff, v17;
	_ =	sdelay $0x3  }
0x6f: {  	(xrf0) =	vadd.scan.msk.s32 $0xffff, v18;
	v19, _, _ =	vpop (xrf0)  }
0x70: {  	v20, _, _ =	vpop (xrf0)  }
0x71: {  	v15 =	vsub.s32 v19, v15;
	v19 =	vperm.xlane v19, v5;
	v21, _, _ =	vpop (xrf0)  }
0x72: {  	[tilespmem:$0xC180] =	vst v15;
	v16 =	vsub.s32 v20, v16;
	v20 =	vperm.xlane v20, v5;
	v17 =	vsub.s32 v21, v17  }
0x73: {  	[tilespmem:$0xC200] =	vst v15;
	v15 =	vadd.s32 v19, v16  }
0x74: {  	v63 =	vperm.xlane v21, v5;
	v16 =	vadd.s32 v19, v20;
	[tilespmem:$0xC190] =	vst v15  }
0x75: {  	[tilespmem:$0xC210] =	vst v15;
	v15 =	vadd.s32 v16, v17;
	v17, _, _ =	vpop (xrf0)  }
0x76: {  	v16 =	vadd.s32 v16, v63;
	[tilespmem:$0xC1A0] =	vst v15;
	v17 =	vsub.s32 v17, v18  }
0x77: {  	[tilespmem:$0xC220] =	vst v15;
	v15 =	vadd.s32 v17, v16  }
0x78: {  	[tilespmem:$0xC1B0] =	vst v15  }
0x79: {  	s0 =	simm.s32 $0x0;
	[tilespmem:$0xC230] =	vst v15  }
0x7a: {  	v15 =	vld [tilespmem:s0+$0x0];
	_ =	sdelay $0x1  }
0x7b: {  	s3 =	simm.s32 $0x10;
	s4 =	simm.s32 $0x0  }
.LBB2_4:
0x7c: {  	p0 =	sne.s32 s3, $0x3FF0;
	_ =	sdelay $0x1  }
0x7d: {  	vm0 =	vge.s32 v15, v0;
	vm1 =	vlt.s32 v15, v1;
	v16 =	vsub.s32 v15, v0  }
0x7e: {  	vm0 =	vmand vm0, vm1;
	v16 =	vshra.s32 v16, $0x9  }
0x7f: {  	v16 =	vnsel vm0, $0x3F, v16  }
0x80: {  	(xrf1) =	vunique.msk.u32 vm0, v16;
	_ =	sdelay $0x8  }
0x81: {  	v17 =	vld.idx.msk [tilespmem:v16+s12+$0x0], $0xffff;
	_ =	sdelay $0x4  }
0x82: {  	_, v18, _ =	vpop (xrf1)  }
0x83: {  	v17 =	vadd.s32 v18, v17  }
0x84: {  	v17 =	vadd.s32 $0xFFFFFFFF, v17;
	_ =	sdelay $0x4  }
0x85: {  	[tilespmem:v17+s13+$0x0] =	vst.idx.msk vm0, v15;
	v15 =	vor.u32 s0, v6;
	s0 =	smov.u32 s3  }
.Ltmp3:
0x86: {  	[tilespmem:v17+s15+$0x0] =	vst.idx.msk vm0, v15;
	(pc) =	sbr.rel @p0 .LBB2_4-.Ltmp3, $3  }
0x87: {  	s4 =	sadd.s32 $0x10, s4;
	[tilespmem:v16+s12+$0x0] =	vst.idx.add.s32.msk vm0, v4  }
0x88: {  	v15 =	vld [tilespmem:s4+$0x0];
	_ =	sdelay $0x1  }
0x89: {  	s3 =	sadd.s32 $0x10, s3  }
0x8a: {  	_ =	sdelay $0x1  }
0x8b: {  	vm0 =	vge.s32 v15, v0;
	vm1 =	vlt.s32 v15, v1;
	v16 =	vsub.s32 v15, v0  }
0x8c: {  	vm0 =	vmand vm0, vm1;
	v16 =	vshra.s32 v16, $0x9  }
0x8d: {  	v16 =	vnsel vm0, $0x3F, v16  }
0x8e: {  	(xrf1) =	vunique.msk.u32 vm0, v16;
	_ =	sdelay $0x9  }
0x8f: {  	v17 =	vld.idx.msk [tilespmem:v16+s12+$0x0], $0xffff;
	_ =	sdelay $0x3  }
0x90: {  	_, v18, _ =	vpop (xrf1)  }
0x91: {  	v17 =	vadd.s32 v18, v17  }
0x92: {  	v17 =	vadd.s32 $0xFFFFFFFF, v17;
	_ =	sdelay $0x3  }
.Ltmp4:
0x93: {  	_ = 	snop;
	(pc) =	sbr.rel .LBB2_6-.Ltmp4, $4  }
0x94: {  	[tilespmem:v17+s13+$0x0] =	vst.idx.msk vm0, v15;
	v15 =	vor.u32 s0, v6  }
0x95: {  	s31 =	simm.s32 $0x7A1400;
	s3 =	simm.s32 $0x1000;
	[tilespmem:v17+s15+$0x0] =	vst.idx.msk vm0, v15  }
0x96: {  	s26 =	simm.s32 $0x0;
	s29 =	simm.s32 $0x0;
	s28 =	simm.s32 $0x0;
	[tilespmem:v16+s12+$0x0] =	vst.idx.add.s32.msk vm0, v4  }
0x97: {  	[tilespmem:s18], [sflag:$0x1] =	stream.strided.gather [hbm4b:s8+s3], $0x8000, s31, s3, $0x38;
	[tilespmem:$0x1F380] =	vst v63  }
.LBB2_18:
0x98: {  	s29 =	smov.u32 @p0 s29;
	s26 =	smov.u32 @p0 s26  }
.LBB2_28:
0x99: {  	s28 =	sadd.s32 $0x1, s28  }
0x9a: {  	p0 =	sne.s32 s28, $0x20  }
.Ltmp5:
0x9b: {  	_ = 	snop;
	(pc) =	sbr.rel @!p0 .LBB2_29-.Ltmp5, $1  }
0x9c: {  	_ =	sdelay $0x3  }
.LBB2_6:
0x9d: {  	s31 =	sshll.u32 s28, $0x1  }
0x9e: {  	s30 =	sshllo.u32 s28, $0x1;
	p0 =	sge.u32 s31, s6  }
0x9f: {  	p1 =	sge.u32 @!p0 s30, s6  }
0xa0: {  	p1 =	por p1, p0  }
0xa1: {  	s0 =	sshll.u32 @!p1 s30, $0xC  }
0xa2: {  	s0 =	sadd.s32 @!p1 s9, s0  }
0xa3: {  	s3 =	simm.s32 @!p1 $0x1000;
	s0 =	sshrl.u32 @!p1 s0, $0x3  }
0xa4: {  	s4 =	simm.s32 @!p1 $0x7A1400;
	s5 =	simm.s32 @!p1 $0x14280;
	s0 =	sadd.s32 @!p1 s2, s0  }
0xa5: {  	[tilespmem:s5], [sflag:$0x2] =	stream.strided.gather @!p1 [hbm4b:s0+s3], $0x8000, s4, s3, $0x38;
	[tilespmem:$0x1F380] =	vst v63  }
0xa6: {  	p1 =	seq.s32 @!p0 s28, $0x1F  }
0xa7: {  	v15 =	vmov @!p0 s31;
	p2 =	por !p1, p0  }
0xa8: {  	v15 =	vand.u32 @!p0 $0xFFFFFFFE, v15;
	s0 =	simm.s32 @!p2 $0x1  }
0xa9: {  	v15 =	vbroadcast @!p0 v15, $0x0;
	_ =	swait.ge @!p2 [sflag:s0], $0x2000  }
0xaa: {  	p1 =	por p1, p0;
	[sflag:s0] =	ssyncset.done @!p2 $0x0  }
0xab: {  	[sflag:s0] =	ssyncadd.s32 @!p2 $0xFFFFE000;
	s0 =	simm.s32 @!p1 $0x1  }
0xac: {  	_ =	swait.ge @!p1 [sflag:s0], $0x8000  }
0xad: {  	[sflag:s0] =	ssyncset.done @!p1 $0x0  }
0xae: {  	[sflag:s0] =	ssyncadd.s32 @!p1 $0xFFFF8000;
	s0 =	simm.s32 @!p0 $0xC180  }
0xaf: {  	v16 =	vld.idx.msk @!p0 [tilespmem:v15+s0+$0x0], $0xffff;
	s0 =	simm.s32 @!p0 $0xC200  }
0xb0: {  	v15 =	vld.idx.msk @!p0 [tilespmem:v15+s0+$0x0], $0xffff;
	_ =	sdelay $0x2  }
0xb1: {  	vm0 =	vmmov @!p0 $0x1  }
0xb2: {  	v16 =	vnsel @!p0 vm0, $0x0, v16  }
0xb3: {  	(xrf0) =	vadd.scan.msk.s32 @!p0 $0xffff, v16;
	v15 =	vnsel @!p0 vm0, $0x0, v15  }
0xb4: {  	(xrf0) =	vadd.scan.msk.s32 @!p0 $0xffff, v15;
	_ =	sdelay $0x4  }
0xb5: {  	v15, _, _ =	vpop @!p0 (xrf0)  }
0xb6: {  	(v2sf) =	vpush @!p0 v15, $0xF;
	v15, _, _ =	vpop @!p0 (xrf0)  }
0xb7: {  	(v2sf) =	vpush @!p0 v15, $0xF;
	_ =	sdelay $0xd  }
0xb8: {  	s4 =	spop @!p0 (v2sf)  }
0xb9: {  	s0 =	spop @!p0 (v2sf)  }
0xba: {  	p1 =	sge.s32 @!p0 s4, s0  }
0xbb: {  	p1 =	por p0, p1  }
.Ltmp6:
0xbc: {  	_ = 	snop;
	(pc) =	sbr.rel @p1 .LBB2_7-.Ltmp6, $1  }
0xbd: {  	_ =	sdelay $0x3  }
.Ltmp7:
0xbe: {  	(pc) =	sbr.rel .LBB2_9-.Ltmp7, $4  }
0xbf: {  	_ = 	snop  }
0xc0: {  	s3 =	sshll.u32 s28, $0xA  }
0xc1: {  	s3 =	sadd.s32 s1, s3  }
0xc2: {  	s3 =	ssub.s32 $0x0, s3  }
.LBB2_15:
0xc3: {  	s29 =	sadd.s32 $0x1, s29  }
.LBB2_16:
0xc4: {  	s4 =	sadd.s32 $0x1, s4  }
0xc5: {  	p0 =	sne.s32 s0, s4  }
.Ltmp8:
0xc6: {  	_ = 	snop;
	(pc) =	sbr.rel @!p0 .LBB2_17-.Ltmp8, $1  }
0xc7: {  	_ =	sdelay $0x3  }
.LBB2_9:
0xc8: {  	s5 =	sand.u32 $0xFFFFFFF0, s4  }
0xc9: {  	v15 =	vld [tilespmem:s5+$0x4000];
	_ =	sdelay $0x1  }
0xca: {  	s16 =	sand.u32 $0xF, s4  }
0xcb: {  	v16 =	vmov s16  }
0xcc: {  	vm0 =	veq.s32 v16, v6  }
0xcd: {  	v15 =	vnsel vm0, $0x0, v15  }
0xce: {  	(xrf0) =	vadd.scan.msk.s32 $0xffff, v15;
	_ =	sdelay $0x5  }
0xcf: {  	v15, _, _ =	vpop (xrf0)  }
0xd0: {  	(v2sf) =	vpush v15, $0xF;
	_ =	sdelay $0xe  }
0xd1: {  	s17 =	spop (v2sf)  }
0xd2: {  	s16 =	sadd.s32 s17, s3  }
0xd3: {  	v15 =	vmov s16  }
0xd4: {  	v16 =	vshll.u32 v15, $0x3  }
0xd5: {  	v15 =	vand.u32 $0x7F, v15;
	v16 =	vand.u32 $0xFFFFFC00, v16  }
0xd6: {  	v15 =	vor.u32 v15, v16  }
0xd7: {  	v16 =	vadd.s32 v7, v15  }
0xd8: {  	v17 =	vadd.s32 v8, v15  }
0xd9: {  	v18 =	vadd.s32 v9, v15  }
0xda: {  	v15 =	vadd.s32 v10, v15;
	_ =	sdelay $0x1  }
0xdb: {  	v16 =	vld.idx.msk [tilespmem:v16+s18+$0x0], $0xffff  }
0xdc: {  	v17 =	vld.idx.msk [tilespmem:v17+s18+$0x0], $0xffff  }
0xdd: {  	v18 =	vld.idx.msk [tilespmem:v18+s18+$0x0], $0xffff  }
0xde: {  	v15 =	vld.idx.msk [tilespmem:v15+s18+$0x0], $0xffff;
	_ =	sdelay $0x1  }
0xdf: {  	v16 =	vmul.f32 $1.442695020e+00, v16  }
0xe0: {  	v17 =	vmul.f32 $1.442695020e+00, v17  }
0xe1: {  	(erf) = vpow2.f32 v16;
	v16 =	vmul.f32 $1.442695020e+00, v18  }
0xe2: {  	v15 =	vmul.f32 $1.442695020e+00, v15;
	(erf) = vpow2.f32 v17  }
0xe3: {  	(erf) = vpow2.f32 v16  }
0xe4: {  	(erf) = vpow2.f32 v15;
	_ =	sdelay $0x5  }
0xe5: {  	v15 =	vpop (erf)  }
0xe6: {  	v16 =	vpop (erf)  }
0xe7: {  	v17 =	vpop (erf)  }
0xe8: {  	v18 =	vpop (erf)  }
0xe9: {  	v19 =	vadd.f32 v16, v15;
	v20 =	vadd.f32 v18, v17;
	_ =	sdelay $0x1  }
0xea: {  	v19 =	vadd.f32 v20, v19;
	_ =	sdelay $0x1  }
0xeb: {  	(xrf2) =	vadd.scan.msk.f32 $0xffff, v19;
	_ =	sdelay $0x9  }
0xec: {  	v19, _, _ =	vpop (xrf2)  }
0xed: {  	v19 =	vperm.xlane v19, v5;
	_ =	sdelay $0x1  }
0xee: {  	(erf) = vrcp.f32 v19  }
0xef: {  	v19 =	vld [tilespmem:s5+$0x8080];
	_ =	sdelay $0x4  }
0xf0: {  	v19 =	vnsel vm0, $0x0, v19  }
0xf1: {  	s5 =	sand.u32 $0x1, s26  }
0xf2: {  	s16 =	smul.u32 $0x6000, s5;
	(xrf0) =	vadd.scan.msk.s32 $0xffff, v19  }
0xf3: {  	s17 =	sshll.u32 s29, $0x9;
	v19 =	vpop (erf)  }
0xf4: {  	s17 =	sshra.s32 s17, $0x2;
	p1 =	seq.s32 s5, $0x1;
	s16 =	sshrl.u32 s16, $0x2;
	v15 =	vmul.f32 v19, v15  }
.Ltmp9:
0xf5: {  	s16 =	sadd.s32 s17, s16;
	v16 =	vmul.f32 v19, v16;
	(pc) =	sbr.rel @p1 .LBB2_14-.Ltmp9, $4  }
0xf6: {  	s17 =	sadd.s32 $0x1C280, s16;
	[tilespmem:s16+$0x1C280] =	vst v15;
	v15 =	vmul.f32 v19, v17  }
0xf7: {  	[tilespmem:s17+$0x10] =	vst v16;
	v16 =	vmul.f32 v19, v18  }
0xf8: {  	v17, _, _ =	vpop (xrf0);
	[tilespmem:s17+$0x20] =	vst v15  }
0xf9: {  	p0 =	seq.s32 s29, $0x2F;
	v15 =	vbroadcast v17, $0xF;
	[tilespmem:s17+$0x30] =	vst v16;
	v16 =	vmov s29  }
.Ltmp10:
0xfa: {  	_ = 	snop;
	(pc) =	sbr.rel @!p0 .LBB2_15-.Ltmp10, $2  }
0xfb: {  	_ =	sdelay $0x2  }
0xfc: {  	[tilespmem:v16+s19+$0x0] =	vst.idx.msk $0x1, v15  }
.Ltmp11:
0xfd: {  	(pc) =	sbr.rel .LBB2_13-.Ltmp11, $2  }
0xfe: {  	_ =	sdelay $0x2  }
0xff: {  	[hbm4b:s7+s20] =	stream.indirect.scatter [tilespmem:s21], [sflag:$0x3], $0x80, s19, s20, $0xb8;
	[tilespmem:$0x1F380] =	vst v63  }
.LBB2_14:
.Ltmp12:
0x100: {  	_ = 	snop;
	(pc) =	sbr.rel @!p0 .LBB2_15-.Ltmp12, $2  }
0x101: {  	_ =	sdelay $0x2  }
0x102: {  	[tilespmem:v16+s22+$0x0] =	vst.idx.msk $0x1, v15  }
0x103: {  	[hbm4b:s7+s20] =	stream.indirect.scatter [tilespmem:s23], [sflag:$0x3], $0x80, s22, s20, $0xb8;
	[tilespmem:$0x1F380] =	vst v63  }
.LBB2_13:
.Ltmp13:
0x104: {  	p0 =	slt.s32 s26, $0x1;
	(pc) =	sbr.rel .LBB2_16-.Ltmp13, $4  }
0x105: {  	s5 =	simm.s32 @!p0 $0x3  }
0x106: {  	_ =	swait.ge @!p0 [sflag:s5], $0x1800  }
0x107: {  	[sflag:s5] =	ssyncset.done @!p0 $0x0  }
0x108: {  	s26 =	sadd.s32 $0x1, s26;
	s29 =	simm.s32 $0x0;
	[sflag:s5] =	ssyncadd.s32 @!p0 $0xFFFFE800  }
.LBB2_7:
0x109: {  	s29 =	smov.u32 @p0 s29;
	s26 =	smov.u32 @p0 s26  }
.LBB2_17:
0x10a: {  	p0 =	sge.u32 s30, s6  }
0x10b: {  	s0 =	sadd.s32 @!p0 $0x2, s31  }
0x10c: {  	p1 =	sge.u32 @!p0 s0, s6  }
0x10d: {  	p4 =	por p1, p0  }
0x10e: {  	p2 =	seq.s32 @!p4 s0, $0x3E  }
0x10f: {  	p3 =	por @!p0 !p2, p1  }
0x110: {  	s0 =	sshll.u32 @!p4 s0, $0x9;
	p3 =	por p3, p0  }
0x111: {  	s0 =	sadd.s32 @!p4 s8, s0;
	s3 =	simm.s32 @!p3 $0x0;
	s4 =	simm.s32 @!p3 $0xC280  }
0x112: {  	[tilespmem:s4], [sflag:$0x1] =	stream.linear.gather @!p3 [hbm4b:s0+s3], $0x400, $0x38;
	[tilespmem:$0x1F380] =	vst v63  }
0x113: {  	s5 =	simm.s32 @!p3 $0xD280;
	s4 =	sadd.s32 @!p3 $0xF4280, s0  }
0x114: {  	[tilespmem:s5], [sflag:$0x1] =	stream.linear.gather @!p3 [hbm4b:s4+s3], $0x400, $0x38;
	[tilespmem:$0x1F380] =	vst v63  }
0x115: {  	s4 =	sadd.s32 @!p3 $0x1E8500, s0;
	s5 =	simm.s32 @!p3 $0xE280  }
0x116: {  	[tilespmem:s5], [sflag:$0x1] =	stream.linear.gather @!p3 [hbm4b:s4+s3], $0x400, $0x38;
	[tilespmem:$0x1F380] =	vst v63  }
0x117: {  	s4 =	sadd.s32 @!p3 $0x2DC780, s0;
	s5 =	simm.s32 @!p3 $0xF280  }
0x118: {  	[tilespmem:s5], [sflag:$0x1] =	stream.linear.gather @!p3 [hbm4b:s4+s3], $0x400, $0x38;
	[tilespmem:$0x1F380] =	vst v63  }
0x119: {  	s4 =	sadd.s32 @!p3 $0x3D0A00, s0;
	s5 =	simm.s32 @!p3 $0x10280  }
0x11a: {  	[tilespmem:s5], [sflag:$0x1] =	stream.linear.gather @!p3 [hbm4b:s4+s3], $0x400, $0x38;
	[tilespmem:$0x1F380] =	vst v63  }
0x11b: {  	s4 =	sadd.s32 @!p3 $0x4C4C80, s0;
	s5 =	simm.s32 @!p3 $0x11280  }
0x11c: {  	[tilespmem:s5], [sflag:$0x1] =	stream.linear.gather @!p3 [hbm4b:s4+s3], $0x400, $0x38;
	[tilespmem:$0x1F380] =	vst v63  }
0x11d: {  	p1 =	por @!p0 p2, p1;
	s4 =	sadd.s32 @!p3 $0x5B8F00, s0;
	s5 =	simm.s32 @!p3 $0x12280  }
0x11e: {  	[tilespmem:s5], [sflag:$0x1] =	stream.linear.gather @!p3 [hbm4b:s4+s3], $0x400, $0x38;
	[tilespmem:$0x1F380] =	vst v63  }
0x11f: {  	p1 =	por p1, p0;
	s4 =	sadd.s32 @!p3 $0x6AD180, s0;
	s5 =	simm.s32 @!p3 $0x13280  }
0x120: {  	[tilespmem:s5], [sflag:$0x1] =	stream.linear.gather @!p3 [hbm4b:s4+s3], $0x400, $0x38;
	[tilespmem:$0x1F380] =	vst v63  }
0x121: {  	s3 =	simm.s32 @!p1 $0x1000;
	s4 =	simm.s32 @!p1 $0x7A1400;
	s5 =	simm.s32 @!p1 $0xC280  }
0x122: {  	v15 =	vmov @!p0 s30;
	[tilespmem:s5], [sflag:$0x1] =	stream.strided.gather @!p1 [hbm4b:s0+s3], $0x8000, s4, s3, $0x38;
	[tilespmem:$0x1F380] =	vst v63  }
0x123: {  	s0 =	simm.s32 @!p0 $0x2  }
0x124: {  	_ =	swait.ge @!p0 [sflag:s0], $0x8000  }
0x125: {  	[sflag:s0] =	ssyncset.done @!p0 $0x0  }
0x126: {  	[sflag:s0] =	ssyncadd.s32 @!p0 $0xFFFF8000;
	s0 =	simm.s32 @!p0 $0xC180  }
0x127: {  	v16 =	vld.idx.msk @!p0 [tilespmem:v15+s0+$0x0], $0xffff;
	s0 =	simm.s32 @!p0 $0xC200  }
0x128: {  	v15 =	vld.idx.msk @!p0 [tilespmem:v15+s0+$0x0], $0xffff;
	_ =	sdelay $0x2  }
0x129: {  	vm0 =	vmmov @!p0 $0x1  }
0x12a: {  	v16 =	vnsel @!p0 vm0, $0x0, v16  }
0x12b: {  	(xrf0) =	vadd.scan.msk.s32 @!p0 $0xffff, v16;
	v15 =	vnsel @!p0 vm0, $0x0, v15  }
0x12c: {  	(xrf0) =	vadd.scan.msk.s32 @!p0 $0xffff, v15;
	_ =	sdelay $0x4  }
0x12d: {  	v15, _, _ =	vpop @!p0 (xrf0)  }
0x12e: {  	(v2sf) =	vpush @!p0 v15, $0xF;
	v15, _, _ =	vpop @!p0 (xrf0)  }
0x12f: {  	(v2sf) =	vpush @!p0 v15, $0xF;
	_ =	sdelay $0xd  }
0x130: {  	s4 =	spop @!p0 (v2sf)  }
0x131: {  	s0 =	spop @!p0 (v2sf)  }
0x132: {  	p1 =	sge.s32 @!p0 s4, s0  }
0x133: {  	p1 =	por p0, p1  }
.Ltmp14:
0x134: {  	_ = 	snop;
	(pc) =	sbr.rel @p1 .LBB2_18-.Ltmp14, $1  }
0x135: {  	_ =	sdelay $0x3  }
.Ltmp15:
0x136: {  	(pc) =	sbr.rel .LBB2_20-.Ltmp15, $4  }
0x137: {  	_ = 	snop  }
0x138: {  	s3 =	sshll.u32 s30, $0x9  }
0x139: {  	s3 =	sadd.s32 s1, s3  }
0x13a: {  	s3 =	ssub.s32 $0x0, s3  }
.LBB2_26:
0x13b: {  	s29 =	sadd.s32 $0x1, s29  }
.LBB2_27:
0x13c: {  	s4 =	sadd.s32 $0x1, s4  }
0x13d: {  	p0 =	sne.s32 s0, s4  }
.Ltmp16:
0x13e: {  	_ = 	snop;
	(pc) =	sbr.rel @!p0 .LBB2_28-.Ltmp16, $1  }
0x13f: {  	_ =	sdelay $0x3  }
.LBB2_20:
0x140: {  	s5 =	sand.u32 $0xFFFFFFF0, s4  }
0x141: {  	v15 =	vld [tilespmem:s5+$0x4000];
	_ =	sdelay $0x1  }
0x142: {  	s16 =	sand.u32 $0xF, s4  }
0x143: {  	v16 =	vmov s16  }
0x144: {  	vm0 =	veq.s32 v16, v6  }
0x145: {  	v15 =	vnsel vm0, $0x0, v15  }
0x146: {  	(xrf0) =	vadd.scan.msk.s32 $0xffff, v15;
	_ =	sdelay $0x5  }
0x147: {  	v15, _, _ =	vpop (xrf0)  }
0x148: {  	(v2sf) =	vpush v15, $0xF;
	_ =	sdelay $0xe  }
0x149: {  	s17 =	spop (v2sf)  }
0x14a: {  	s16 =	sadd.s32 s17, s3  }
0x14b: {  	v15 =	vmov s16  }
0x14c: {  	v16 =	vshll.u32 v15, $0x3  }
0x14d: {  	v15 =	vand.u32 $0x7F, v15;
	v16 =	vand.u32 $0xFFFFFC00, v16  }
0x14e: {  	v15 =	vor.u32 v15, v16  }
0x14f: {  	v16 =	vadd.s32 v11, v15  }
0x150: {  	v17 =	vadd.s32 v12, v15  }
0x151: {  	v18 =	vadd.s32 v13, v15  }
0x152: {  	v15 =	vadd.s32 v14, v15;
	_ =	sdelay $0x1  }
0x153: {  	v16 =	vld.idx.msk [tilespmem:v16+s18+$0x0], $0xffff  }
0x154: {  	v17 =	vld.idx.msk [tilespmem:v17+s18+$0x0], $0xffff  }
0x155: {  	v18 =	vld.idx.msk [tilespmem:v18+s18+$0x0], $0xffff  }
0x156: {  	v15 =	vld.idx.msk [tilespmem:v15+s18+$0x0], $0xffff;
	_ =	sdelay $0x1  }
0x157: {  	v16 =	vmul.f32 $1.442695020e+00, v16  }
0x158: {  	v17 =	vmul.f32 $1.442695020e+00, v17  }
0x159: {  	(erf) = vpow2.f32 v16;
	v16 =	vmul.f32 $1.442695020e+00, v18  }
0x15a: {  	v15 =	vmul.f32 $1.442695020e+00, v15;
	(erf) = vpow2.f32 v17  }
0x15b: {  	(erf) = vpow2.f32 v16  }
0x15c: {  	(erf) = vpow2.f32 v15;
	_ =	sdelay $0x5  }
0x15d: {  	v15 =	vpop (erf)  }
0x15e: {  	v16 =	vpop (erf)  }
0x15f: {  	v17 =	vpop (erf)  }
0x160: {  	v18 =	vpop (erf)  }
0x161: {  	v19 =	vadd.f32 v16, v15;
	v20 =	vadd.f32 v18, v17;
	_ =	sdelay $0x1  }
0x162: {  	v19 =	vadd.f32 v20, v19;
	_ =	sdelay $0x1  }
0x163: {  	(xrf2) =	vadd.scan.msk.f32 $0xffff, v19;
	_ =	sdelay $0x9  }
0x164: {  	v19, _, _ =	vpop (xrf2)  }
0x165: {  	v19 =	vperm.xlane v19, v5;
	_ =	sdelay $0x1  }
0x166: {  	(erf) = vrcp.f32 v19  }
0x167: {  	v19 =	vld [tilespmem:s5+$0x8080];
	_ =	sdelay $0x4  }
0x168: {  	v19 =	vnsel vm0, $0x0, v19  }
0x169: {  	s30 =	sand.u32 $0x1, s26  }
0x16a: {  	s31 =	smul.u32 $0x6000, s30;
	(xrf0) =	vadd.scan.msk.s32 $0xffff, v19  }
0x16b: {  	s17 =	sshll.u32 s29, $0x9;
	v19 =	vpop (erf)  }
0x16c: {  	p1 =	seq.s32 s30, $0x1;
	s16 =	sshrl.u32 s31, $0x2;
	s17 =	sshra.s32 s17, $0x2;
	v15 =	vmul.f32 v19, v15  }
.Ltmp17:
0x16d: {  	s16 =	sadd.s32 s17, s16;
	v16 =	vmul.f32 v19, v16;
	(pc) =	sbr.rel @p1 .LBB2_25-.Ltmp17, $4  }
0x16e: {  	s17 =	sadd.s32 $0x1C280, s16;
	[tilespmem:s16+$0x1C280] =	vst v15;
	v15 =	vmul.f32 v19, v17  }
0x16f: {  	[tilespmem:s17+$0x10] =	vst v16;
	v16 =	vmul.f32 v19, v18  }
0x170: {  	v17, _, _ =	vpop (xrf0);
	[tilespmem:s17+$0x20] =	vst v15  }
0x171: {  	p0 =	seq.s32 s29, $0x2F;
	v15 =	vbroadcast v17, $0xF;
	[tilespmem:s17+$0x30] =	vst v16;
	v16 =	vmov s29  }
.Ltmp18:
0x172: {  	_ = 	snop;
	(pc) =	sbr.rel @!p0 .LBB2_26-.Ltmp18, $2  }
0x173: {  	_ =	sdelay $0x2  }
0x174: {  	[tilespmem:v16+s19+$0x0] =	vst.idx.msk $0x1, v15  }
.Ltmp19:
0x175: {  	(pc) =	sbr.rel .LBB2_24-.Ltmp19, $2  }
0x176: {  	_ =	sdelay $0x2  }
0x177: {  	[hbm4b:s7+s20] =	stream.indirect.scatter [tilespmem:s21], [sflag:$0x3], $0x80, s19, s20, $0xb8;
	[tilespmem:$0x1F380] =	vst v63  }
.LBB2_25:
.Ltmp20:
0x178: {  	_ = 	snop;
	(pc) =	sbr.rel @!p0 .LBB2_26-.Ltmp20, $2  }
0x179: {  	_ =	sdelay $0x2  }
0x17a: {  	[tilespmem:v16+s22+$0x0] =	vst.idx.msk $0x1, v15  }
0x17b: {  	[hbm4b:s7+s20] =	stream.indirect.scatter [tilespmem:s23], [sflag:$0x3], $0x80, s22, s20, $0xb8;
	[tilespmem:$0x1F380] =	vst v63  }
.LBB2_24:
.Ltmp21:
0x17c: {  	p0 =	slt.s32 s26, $0x1;
	(pc) =	sbr.rel .LBB2_27-.Ltmp21, $4  }
0x17d: {  	s5 =	simm.s32 @!p0 $0x3  }
0x17e: {  	_ =	swait.ge @!p0 [sflag:s5], $0x1800  }
0x17f: {  	[sflag:s5] =	ssyncset.done @!p0 $0x0  }
0x180: {  	s26 =	sadd.s32 $0x1, s26;
	s29 =	simm.s32 $0x0;
	[sflag:s5] =	ssyncadd.s32 @!p0 $0xFFFFE800  }
.LBB2_30:
0x181: {  	_ =	sfence.sel $0x180000  }
0x182: {  	[bflag:$0x0] =	sbarrier.arrive $0xFFFF  }
0x183: {  	_ =	strace $0x90000047  }
0x184: {  	s0 =	stileid.u32;
	[bflag:$0x2] =	sbarrier.arrive $0xFFFF  }
0x185: {  	p0 =	sne.s32 s0, $0x0;
	s0 =	rddreg [dreg:$0x3]  }
0x186: {  	s0 =	sadd.s32 @!p0 $0x100000, s0  }
0x187: {  	[sflag:s0] =	ssyncadd.tile.s32 @!p0 $0x1;
	_ =	shalt  }
.Lfunc_end2:
_tile_overlayer_lowered:
.L_overlay_start_2:
0x188: {  	(tag) =	ssettag $0x2  }
0x189: {  	s0 =	rddreg [dreg:$0x0];
	s2 =	stileid.u32  }
0x18a: {  	s1 =	rddreg [dreg:$0x1];
	p0 =	sne.s32 s2, $0x0  }
0x18b: {  	s3 =	rddreg [dreg:$0x2];
	[bflag:$0x3] =	sbarrier.arrive $0xFFFF;
	s2 =	simm.s32 @!p0 $0x1C04  }
0x18c: {  	[timem:s3], [sflag:s2] =	dma.local @!p0 [hbm:s0], s1  }
0x18d: {  	s0 =	simm.s32 @!p0 $0x4  }
0x18e: {  	_ =	swait.ge @!p0 [sflag:s0], s1  }
0x18f: {  	s1 =	ssub.s32 @!p0 $0x0, s1;
	[sflag:s0] =	ssyncset.done @!p0 $0x0  }
0x190: {  	[sflag:s0] =	ssyncadd.s32 @!p0 s1  }
0x191: {  	[bflag:$0x3] =	sbarrier.arrive $0xFFFF  }
0x192: {  	_ =	shalt  }

</sc_bundles>
